<compile_context>
chip_gen: v7x
topology: tpu7x:2x2x1
jax: 0.10.2.dev20260603
libtpu: 0.0.44.dev20260713+nightly
codegen_flags: <defaults>
</compile_context>

<pallas_src>
import functools

import jax
import jax.numpy as jnp
from jax import lax
from jax.experimental import pallas as pl
from jax.experimental.pallas import tpu as pltpu
from jax.experimental.pallas import tpu_sc as plsc

B, F, V, D = 4096, 26, 100000, 32
H1, H2 = 512, 256
FD = F * D
EPS = 1e-5

_L = 16
_NC, _NS = 2, 16
_NW = _NC * _NS
_K2 = FD // _NW

_HIGH = lax.Precision.HIGHEST


def _sc_gather_body(w2_hbm, w1_hbm, xi_hbm, x_hbm, e1_hbm,
                    idx_v, out_v, sem):
    wid = lax.axis_index("s") * _NC + lax.axis_index("c")
    _G = 128
    _NGC = B // _G

    def gather_row(table_flat, base):
        def flat(i, carry):
            off = pl.multiple_of(i * _L, _L)
            idx_v[pl.ds(off, _L)] = idx_v[pl.ds(off, _L)] + base
            return carry
        lax.fori_loop(0, B // _L, flat, 0)
        cps = [pltpu.async_copy(table_flat.at[idx_v.at[pl.ds(j * _G, _G)]],
                                out_v.at[pl.ds(j * _G, _G)], sem)
               for j in range(_NGC)]
        for cp in cps:
            cp.wait()

    @pl.when(wid < F)
    def _():
        pltpu.sync_copy(xi_hbm.at[wid], idx_v)
        gather_row(w1_hbm, wid * V)
        pltpu.sync_copy(out_v, e1_hbm.at[wid])

    def unit(k, carry):
        u = wid + k * _NW
        f = u // D
        pltpu.sync_copy(xi_hbm.at[f], idx_v)
        gather_row(w2_hbm, u * V)
        pltpu.sync_copy(out_v, x_hbm.at[u])
        return carry
    lax.fori_loop(0, _K2, unit, 0)


@functools.cache
def _sc_gather():
    return pl.kernel(
        _sc_gather_body,
        out_type=(jax.ShapeDtypeStruct((FD, B), jnp.float32),
                  jax.ShapeDtypeStruct((F, B), jnp.float32)),
        mesh=plsc.VectorSubcoreMesh(core_axis_name="c", subcore_axis_name="s"),
        compiler_params=pltpu.CompilerParams(use_tc_tiling_on_sc=False),
        scratch_types=[
            pltpu.VMEM((B,), jnp.int32),
            pltpu.VMEM((B,), jnp.float32),
            pltpu.SemaphoreType.DMA,
        ],
    )


_C = 512
_NCH = B // _C


def _tc1_body(x_ref, e1_ref, xv_ref, w1_ref, b1_ref,
              h1_ref, fmv_ref, s1_ref, ss1_ref):
    i = pl.program_id(0)
    xv = xv_ref[...]
    jj = lax.broadcasted_iota(jnp.int32, (FD, F), 0)
    ff = lax.broadcasted_iota(jnp.int32, (FD, F), 1)
    R2 = (jj // D == ff).astype(jnp.float32)
    xvr = lax.dot_general(R2, xv, (((1,), (0,)), ((), ())), precision=_HIGH)
    x = x_ref[...] * xvr
    cc = lax.broadcasted_iota(jnp.int32, (D, FD), 0)
    rr = lax.broadcasted_iota(jnp.int32, (D, FD), 1)
    S2 = (rr % D == cc).astype(jnp.float32)
    xs = lax.dot_general(S2, x, (((1,), (0,)), ((), ())), precision=_HIGH)
    x2s = lax.dot_general(S2, x * x, (((1,), (0,)), ((), ())),
                          precision=_HIGH)
    fm2 = 0.5 * (xs * xs - x2s)
    fmv_ref[...] = (jnp.sum(e1_ref[...] * xv, axis=0, keepdims=True)
                    + jnp.sum(fm2, axis=0, keepdims=True))
    h1 = lax.dot_general(w1_ref[...], x, (((1,), (0,)), ((), ())),
                         precision=_HIGH,
                         preferred_element_type=jnp.float32) + b1_ref[...]
    h1_ref[...] = h1

    @pl.when(i == 0)
    def _():
        s1_ref[...] = jnp.zeros_like(s1_ref)
        ss1_ref[...] = jnp.zeros_like(ss1_ref)
    s1_ref[...] += jnp.sum(h1, axis=1, keepdims=True)
    ss1_ref[...] += jnp.sum(h1 * h1, axis=1, keepdims=True)


def _tc2_body(h1_ref, s1_ref, ss1_ref, g1_ref, bb1_ref, w2_ref, b2_ref,
              h2_ref, s2_ref, ss2_ref):
    i = pl.program_id(0)
    mu1 = s1_ref[...] * (1.0 / B)
    var1 = ss1_ref[...] * (1.0 / B) - mu1 * mu1
    a1 = g1_ref[...] * lax.rsqrt(var1 + EPS)
    c1 = bb1_ref[...] - mu1 * a1
    bn1 = h1_ref[...] * a1 + c1
    h2 = lax.dot_general(w2_ref[...], bn1, (((1,), (0,)), ((), ())),
                         precision=_HIGH,
                         preferred_element_type=jnp.float32) + b2_ref[...]
    h2_ref[...] = h2

    @pl.when(i == 0)
    def _():
        s2_ref[...] = jnp.zeros_like(s2_ref)
        ss2_ref[...] = jnp.zeros_like(ss2_ref)
    s2_ref[...] += jnp.sum(h2, axis=1, keepdims=True)
    ss2_ref[...] += jnp.sum(h2 * h2, axis=1, keepdims=True)


def _tc3_body(h2_ref, s2_ref, ss2_ref, g2_ref, bb2_ref, fmv_ref, bias_ref,
              out_ref):
    mu2 = s2_ref[...] * (1.0 / B)
    var2 = ss2_ref[...] * (1.0 / B) - mu2 * mu2
    a2 = g2_ref[...] * lax.rsqrt(var2 + EPS)
    c2 = bb2_ref[...] - mu2 * a2
    deep = jnp.sum(h2_ref[...] * a2, axis=0, keepdims=True) + jnp.sum(c2)
    out_ref[...] = fmv_ref[...] + deep + bias_ref[0, 0]


def _dense(xT, e1T, xvT, lin1_W, lin1_b, bn1_g, bn1_b,
           lin2_W, lin2_b, bn2_g, bn2_b, bias):
    col = lambda v: v.reshape(-1, 1)
    h1, fmv, s1, ss1 = pl.pallas_call(
        _tc1_body,
        grid=(_NCH,),
        in_specs=[
            pl.BlockSpec((FD, _C), lambda i: (0, i)),
            pl.BlockSpec((F, _C), lambda i: (0, i)),
            pl.BlockSpec((F, _C), lambda i: (0, i)),
            pl.BlockSpec((H1, FD), lambda i: (0, 0)),
            pl.BlockSpec((H1, 1), lambda i: (0, 0)),
        ],
        out_specs=[
            pl.BlockSpec((H1, _C), lambda i: (0, i)),
            pl.BlockSpec((1, _C), lambda i: (0, i)),
            pl.BlockSpec((H1, 1), lambda i: (0, 0)),
            pl.BlockSpec((H1, 1), lambda i: (0, 0)),
        ],
        out_shape=[
            jax.ShapeDtypeStruct((H1, B), jnp.float32),
            jax.ShapeDtypeStruct((1, B), jnp.float32),
            jax.ShapeDtypeStruct((H1, 1), jnp.float32),
            jax.ShapeDtypeStruct((H1, 1), jnp.float32),
        ],
    )(xT, e1T, xvT, lin1_W, col(lin1_b))

    h2, s2, ss2 = pl.pallas_call(
        _tc2_body,
        grid=(_NCH,),
        in_specs=[
            pl.BlockSpec((H1, _C), lambda i: (0, i)),
            pl.BlockSpec((H1, 1), lambda i: (0, 0)),
            pl.BlockSpec((H1, 1), lambda i: (0, 0)),
            pl.BlockSpec((H1, 1), lambda i: (0, 0)),
            pl.BlockSpec((H1, 1), lambda i: (0, 0)),
            pl.BlockSpec((H2, H1), lambda i: (0, 0)),
            pl.BlockSpec((H2, 1), lambda i: (0, 0)),
        ],
        out_specs=[
            pl.BlockSpec((H2, _C), lambda i: (0, i)),
            pl.BlockSpec((H2, 1), lambda i: (0, 0)),
            pl.BlockSpec((H2, 1), lambda i: (0, 0)),
        ],
        out_shape=[
            jax.ShapeDtypeStruct((H2, B), jnp.float32),
            jax.ShapeDtypeStruct((H2, 1), jnp.float32),
            jax.ShapeDtypeStruct((H2, 1), jnp.float32),
        ],
    )(h1, s1, ss1, col(bn1_g), col(bn1_b), lin2_W, col(lin2_b))

    total = pl.pallas_call(
        _tc3_body,
        in_specs=[
            pl.BlockSpec((H2, B), lambda: (0, 0)),
            pl.BlockSpec((H2, 1), lambda: (0, 0)),
            pl.BlockSpec((H2, 1), lambda: (0, 0)),
            pl.BlockSpec((H2, 1), lambda: (0, 0)),
            pl.BlockSpec((H2, 1), lambda: (0, 0)),
            pl.BlockSpec((1, B), lambda: (0, 0)),
            pl.BlockSpec((1, 1), lambda: (0, 0)),
        ],
        out_specs=pl.BlockSpec((1, B), lambda: (0, 0)),
        out_shape=jax.ShapeDtypeStruct((1, B), jnp.float32),
    )(h2, s2, ss2, col(bn2_g), col(bn2_b), fmv, bias.reshape(1, 1))
    return total.reshape(B)


def kernel(Xi, Xv, W1, W2, lin1_W, lin1_b, bn1_g, bn1_b,
           lin2_W, lin2_b, bn2_g, bn2_b, bias):
    w2v = jnp.transpose(W2, (0, 2, 1)).reshape(FD * V)
    w1v = jnp.transpose(W1, (2, 0, 1)).reshape(F * V)
    xiT = jnp.transpose(Xi.reshape(B, F)).astype(jnp.int32)
    xT, e1T = _sc_gather()(w2v, w1v, xiT)
    xvT = jnp.transpose(Xv)
    return _dense(xT, e1T, xvT, lin1_W, lin1_b, bn1_g, bn1_b,
                  lin2_W, lin2_b, bn2_g, bn2_b, bias)

# --- scband reference (transcript-rebuilt; emitter-appended) ---
"""Pipeline reference for scband-deep-fm-1675037246182 (READ-ONLY COPY).

The authoritative reference and input builder live on the scoring server;
editing this copy changes nothing except your own understanding.
"""

import jax, jax.numpy as jnp
import numpy as np

B = 4096
F = 26
V = 100000
D = 32
H1 = 512
H2 = 256
EPS = 1e-5

def setup_inputs(seed: int = 0) -> dict:
    key = jax.random.key(seed)
    ks = jax.random.split(key, 12)
    Xi = jax.random.randint(ks[0], (B, F, 1), 0, V, dtype=jnp.int64 if jax.config.read('jax_enable_x64') else jnp.int32)
    Xv = jax.random.uniform(ks[1], (B, F), dtype=jnp.float32)
    W1 = jax.random.normal(ks[2], (F, V, 1), dtype=jnp.float32) * 0.01
    W2 = jax.random.normal(ks[3], (F, V, D), dtype=jnp.float32) * 0.01
    lin1_W = jax.random.normal(ks[4], (H1, F * D), dtype=jnp.float32) * 0.02
    lin1_b = jnp.zeros((H1,), dtype=jnp.float32)
    bn1_g = jnp.ones((H1,), dtype=jnp.float32)
    bn1_b = jnp.zeros((H1,), dtype=jnp.float32)
    lin2_W = jax.random.normal(ks[5], (H2, H1), dtype=jnp.float32) * 0.02
    lin2_b = jnp.zeros((H2,), dtype=jnp.float32)
    bn2_g = jnp.ones((H2,), dtype=jnp.float32)
    bn2_b = jnp.zeros((H2,), dtype=jnp.float32)
    bias = jax.random.normal(ks[6], (1,), dtype=jnp.float32)
    return {"Xi": Xi, "Xv": Xv, "W1": W1, "W2": W2,
            "lin1_W": lin1_W, "lin1_b": lin1_b, "bn1_g": bn1_g, "bn1_b": bn1_b,
            "lin2_W": lin2_W, "lin2_b": lin2_b, "bn2_g": bn2_g, "bn2_b": bn2_b,
            "bias": bias}

def _batchnorm(x, g, b):
    mu = jnp.mean(x, axis=0, keepdims=True)
    var = jnp.var(x, axis=0, keepdims=True)
    return (x - mu) / jnp.sqrt(var + EPS) * g + b

def reference(Xi, Xv, W1, W2, lin1_W, lin1_b, bn1_g, bn1_b, lin2_W, lin2_b, bn2_g, bn2_b, bias):
    idx = Xi[:, :, 0]                      # [B, F]
    f_idx = jnp.arange(F)[None, :]         # [1, F]
    # FM first-order: per-field 1-dim embedding gather, scaled by Xv
    e1 = W1[f_idx, idx]                    # [B, F, 1]
    fm_first_order = e1[..., 0] * Xv       # [B, F]
    # FM second-order embeddings, scaled by Xv
    e2 = W2[f_idx, idx] * Xv[..., None]    # [B, F, D]
    fm_sum = jnp.sum(e2, axis=1)           # [B, D]
    fm_sum_sq = fm_sum * fm_sum
    fm_sq_sum = jnp.sum(e2 * e2, axis=1)
    fm_second_order = (fm_sum_sq - fm_sq_sum) * 0.5   # [B, D]
    # Deep part (dropout p=0.0 -> identity; batchnorm uses batch stats, train-mode forward)
    deep = e2.reshape(B, F * D)
    deep = deep @ lin1_W.T + lin1_b
    deep = _batchnorm(deep, bn1_g, bn1_b)
    deep = deep @ lin2_W.T + lin2_b
    deep = _batchnorm(deep, bn2_g, bn2_b)
    total = jnp.sum(fm_first_order, axis=1) + jnp.sum(fm_second_order, axis=1) + jnp.sum(deep, axis=1) + bias[0]
    return total

if __name__ == "__main__":
    import jax
    _d = setup_inputs()
    print(jax.jit(kernel)(*tuple(_d.values())))

</pallas_src>

<mosaic_0001>
#map = affine_map<(d0, d1) -> (0)>
#map1 = affine_map<(d0, d1) -> (0, 0)>
module attributes {stable_mosaic.version = 14 : i64} {
  func.func @_sc_gather_body(%arg0: i32, %arg1: i32, %arg2: memref<83200000xf32, #tpu.memory_space<hbm>>, %arg3: memref<2600000xf32, #tpu.memory_space<hbm>>, %arg4: memref<26x4096xi32, #tpu.memory_space<hbm>>, %arg5: memref<832x4096xf32, #tpu.memory_space<hbm>>, %arg6: memref<26x4096xf32, #tpu.memory_space<hbm>>, %arg7: memref<4096xi32, #tpu.memory_space<vmem>>, %arg8: memref<4096xf32, #tpu.memory_space<vmem>>, %arg9: memref<!tpu.dma_semaphore, #tpu.memory_space<semaphore_mem>>) attributes {dimension_semantics = [#tpu.dimension_semantics<core_parallel>, #tpu.dimension_semantics<subcore_parallel>], iteration_bounds = array<i64: 2, 16>, scalar_prefetch = 0 : i64, scratch_operands = 3 : i64, tpu.core_type = #tpu.core_type<sc_vector_subcore>, window_params = [{transform_indices = #map}, {transform_indices = #map}, {transform_indices = #map1}, {transform_indices = #map1}, {transform_indices = #map1}]} {
    %mul3A = arith.constant 2 : i32
    %mul3A_0 = arith.muli %arg1, %mul3A : i32
    %add3A = arith.addi %mul3A_0, %arg0 : i32
    %lt3A = arith.constant 26 : i32
    %lt3A_1 = arith.cmpi slt, %add3A, %lt3A : i32
    %convert_element_type3A = arith.extui %lt3A_1 : i1 to i32
    %cond3A = arith.constant 0 : i32
    %cond3A_2 = arith.cmpi ne, %convert_element_type3A, %cond3A : i32
    scf.if %cond3A_2 {
      "tpu.region"() ({
        %run_scoped3A = tpu.sem_alloc : memref<!tpu.dma_semaphore, #tpu.memory_space<semaphore_mem>>
        %dma_start3A_398 = arith.constant 0 : i32
        %dma_start3A_399 = tpu.memref_slice %arg4[%add3A, %dma_start3A_398] : memref<26x4096xi32, #tpu.memory_space<hbm>> -> memref<1x4096xi32, #tpu.memory_space<hbm>>
        %dma_start3A_400 = tpu.memref_squeeze %dma_start3A_399 : memref<1x4096xi32, #tpu.memory_space<hbm>> -> memref<4096xi32, #tpu.memory_space<hbm>>
        %dma_start3A_401 = arith.constant 0 : i32
        %dma_start3A_402 = tpu.memref_slice %arg4[%add3A, %dma_start3A_401] : memref<26x4096xi32, #tpu.memory_space<hbm>> -> memref<1x4096xi32, #tpu.memory_space<hbm>>
        %dma_start3A_403 = tpu.memref_squeeze %dma_start3A_402 : memref<1x4096xi32, #tpu.memory_space<hbm>> -> memref<4096xi32, #tpu.memory_space<hbm>>
        tpu.enqueue_dma source(%dma_start3A_403 : memref<4096xi32, #tpu.memory_space<hbm>>) target(%arg7 : memref<4096xi32, #tpu.memory_space<vmem>>) target_semaphore(%run_scoped3A : memref<!tpu.dma_semaphore, #tpu.memory_space<semaphore_mem>>)
        %dma_wait3A_404 = arith.constant 0 : i32
        %dma_wait3A_405 = tpu.memref_slice %arg4[%add3A, %dma_wait3A_404] : memref<26x4096xi32, #tpu.memory_space<hbm>> -> memref<1x4096xi32, #tpu.memory_space<hbm>>
        %dma_wait3A_406 = tpu.memref_squeeze %dma_wait3A_405 : memref<1x4096xi32, #tpu.memory_space<hbm>> -> memref<4096xi32, #tpu.memory_space<hbm>>
        %dma_wait3A_407 = arith.constant 0 : i32
        %dma_wait3A_408 = tpu.memref_slice %arg4[%add3A, %dma_wait3A_407] : memref<26x4096xi32, #tpu.memory_space<hbm>> -> memref<1x4096xi32, #tpu.memory_space<hbm>>
        %dma_wait3A_409 = tpu.memref_squeeze %dma_wait3A_408 : memref<1x4096xi32, #tpu.memory_space<hbm>> -> memref<4096xi32, #tpu.memory_space<hbm>>
        tpu.wait_dma2 semaphore(%run_scoped3A : memref<!tpu.dma_semaphore, #tpu.memory_space<semaphore_mem>>) src(%dma_wait3A_409 : memref<4096xi32, #tpu.memory_space<hbm>>) dst(%arg7 : memref<4096xi32, #tpu.memory_space<vmem>>)
        tpu.yield
      }) : () -> ()
      %mul3A_8 = arith.constant 100000 : i32
      %mul3A_9 = arith.muli %add3A, %mul3A_8 : i32
      %scan3A_10 = arith.constant 0 : i32
      %scan3A_11 = arith.constant 0 : i32
      %scan3A_12 = arith.constant 256 : i32
      %scan3A_13 = arith.addi %scan3A_11, %scan3A_12 : i32
      %scan3A_14 = arith.constant 1 : i32
      scf.for %scan3A_398 = %scan3A_11 to %scan3A_13 step %scan3A_14  : i32 {
        %mul3A_399 = arith.constant 16 : i32
        %mul3A_400 = arith.muli %scan3A_398, %mul3A_399 : i32
        %multiple_of3A = tpu.assume_multiple %mul3A_400, 16 : i32
        %get3A = arith.index_cast %multiple_of3A : i32 to index
        %get3A_401 = tpu.vector_load %arg7[%get3A] {strides = array<i32>} : memref<4096xi32, #tpu.memory_space<vmem>>, vector<16xi32>,
        %get3A_402 = vector.shape_cast %get3A_401 : vector<16xi32> to vector<16xi32>
        %add3A_403 = vector.broadcast %mul3A_9 : i32 to vector<16xi32>
        %add3A_404 = arith.addi %get3A_402, %add3A_403 : vector<16xi32>
        %swap3A = arith.index_cast %multiple_of3A : i32 to index
        %swap3A_405 = tpu.vector_load %arg7[%swap3A] {strides = array<i32>} : memref<4096xi32, #tpu.memory_space<vmem>>, vector<16xi32>,
        %swap3A_406 = vector.shape_cast %swap3A_405 : vector<16xi32> to vector<16xi32>
        %swap3A_407 = vector.shape_cast %add3A_404 : vector<16xi32> to vector<16xi32>
        tpu.vector_store %arg7[%swap3A], %swap3A_407 {strides = array<i32>} : memref<4096xi32, #tpu.memory_space<vmem>>, vector<16xi32>,
      }
      %scan3A_15 = arith.constant 256 : i32
      %dma_start3A = arith.constant 0 : i32
      %dma_start3A_16 = tpu.memref_slice %arg8[%dma_start3A] : memref<4096xf32, #tpu.memory_space<vmem>> -> memref<128xf32, #tpu.memory_space<vmem>>
      %dma_start3A_17 = arith.constant 0 : i32
      %dma_start3A_18 = tpu.memref_slice %arg7[%dma_start3A_17] : memref<4096xi32, #tpu.memory_space<vmem>> -> memref<128xi32, #tpu.memory_space<vmem>>
      %dma_start3A_19 = arith.constant 0 : i32
      %dma_start3A_20 = tpu.memref_slice %arg3[%dma_start3A_19] : memref<2600000xf32, #tpu.memory_space<hbm>> -> memref<2600000xf32, #tpu.memory_space<hbm>>
      tpu.enqueue_indirect_dma source(%dma_start3A_20 : memref<2600000xf32, #tpu.memory_space<hbm>>) target(%dma_start3A_16 : memref<128xf32, #tpu.memory_space<vmem>>) offsets(%dma_start3A_18 : memref<128xi32, #tpu.memory_space<vmem>>) semaphore(%arg9 : memref<!tpu.dma_semaphore, #tpu.memory_space<semaphore_mem>>)
      %dma_start3A_21 = arith.constant 128 : i32
      %dma_start3A_22 = tpu.memref_slice %arg8[%dma_start3A_21] : memref<4096xf32, #tpu.memory_space<vmem>> -> memref<128xf32, #tpu.memory_space<vmem>>
      %dma_start3A_23 = arith.constant 128 : i32
      %dma_start3A_24 = tpu.memref_slice %arg7[%dma_start3A_23] : memref<4096xi32, #tpu.memory_space<vmem>> -> memref<128xi32, #tpu.memory_space<vmem>>
      %dma_start3A_25 = arith.constant 0 : i32
      %dma_start3A_26 = tpu.memref_slice %arg3[%dma_start3A_25] : memref<2600000xf32, #tpu.memory_space<hbm>> -> memref<2600000xf32, #tpu.memory_space<hbm>>
      tpu.enqueue_indirect_dma source(%dma_start3A_26 : memref<2600000xf32, #tpu.memory_space<hbm>>) target(%dma_start3A_22 : memref<128xf32, #tpu.memory_space<vmem>>) offsets(%dma_start3A_24 : memref<128xi32, #tpu.memory_space<vmem>>) semaphore(%arg9 : memref<!tpu.dma_semaphore, #tpu.memory_space<semaphore_mem>>)
      %dma_start3A_27 = arith.constant 256 : i32
      %dma_start3A_28 = tpu.memref_slice %arg8[%dma_start3A_27] : memref<4096xf32, #tpu.memory_space<vmem>> -> memref<128xf32, #tpu.memory_space<vmem>>
      %dma_start3A_29 = arith.constant 256 : i32
      %dma_start3A_30 = tpu.memref_slice %arg7[%dma_start3A_29] : memref<4096xi32, #tpu.memory_space<vmem>> -> memref<128xi32, #tpu.memory_space<vmem>>
      %dma_start3A_31 = arith.constant 0 : i32
      %dma_start3A_32 = tpu.memref_slice %arg3[%dma_start3A_31] : memref<2600000xf32, #tpu.memory_space<hbm>> -> memref<2600000xf32, #tpu.memory_space<hbm>>
      tpu.enqueue_indirect_dma source(%dma_start3A_32 : memref<2600000xf32, #tpu.memory_space<hbm>>) target(%dma_start3A_28 : memref<128xf32, #tpu.memory_space<vmem>>) offsets(%dma_start3A_30 : memref<128xi32, #tpu.memory_space<vmem>>) semaphore(%arg9 : memref<!tpu.dma_semaphore, #tpu.memory_space<semaphore_mem>>)
      %dma_start3A_33 = arith.constant 384 : i32
      %dma_start3A_34 = tpu.memref_slice %arg8[%dma_start3A_33] : memref<4096xf32, #tpu.memory_space<vmem>> -> memref<128xf32, #tpu.memory_space<vmem>>
      %dma_start3A_35 = arith.constant 384 : i32
      %dma_start3A_36 = tpu.memref_slice %arg7[%dma_start3A_35] : memref<4096xi32, #tpu.memory_space<vmem>> -> memref<128xi32, #tpu.memory_space<vmem>>
      %dma_start3A_37 = arith.constant 0 : i32
      %dma_start3A_38 = tpu.memref_slice %arg3[%dma_start3A_37] : memref<2600000xf32, #tpu.memory_space<hbm>> -> memref<2600000xf32, #tpu.memory_space<hbm>>
      tpu.enqueue_indirect_dma source(%dma_start3A_38 : memref<2600000xf32, #tpu.memory_space<hbm>>) target(%dma_start3A_34 : memref<128xf32, #tpu.memory_space<vmem>>) offsets(%dma_start3A_36 : memref<128xi32, #tpu.memory_space<vmem>>) semaphore(%arg9 : memref<!tpu.dma_semaphore, #tpu.memory_space<semaphore_mem>>)
      %dma_start3A_39 = arith.constant 512 : i32
      %dma_start3A_40 = tpu.memref_slice %arg8[%dma_start3A_39] : memref<4096xf32, #tpu.memory_space<vmem>> -> memref<128xf32, #tpu.memory_space<vmem>>
      %dma_start3A_41 = arith.constant 512 : i32
      %dma_start3A_42 = tpu.memref_slice %arg7[%dma_start3A_41] : memref<4096xi32, #tpu.memory_space<vmem>> -> memref<128xi32, #tpu.memory_space<vmem>>
      %dma_start3A_43 = arith.constant 0 : i32
      %dma_start3A_44 = tpu.memref_slice %arg3[%dma_start3A_43] : memref<2600000xf32, #tpu.memory_space<hbm>> -> memref<2600000xf32, #tpu.memory_space<hbm>>
      tpu.enqueue_indirect_dma source(%dma_start3A_44 : memref<2600000xf32, #tpu.memory_space<hbm>>) target(%dma_start3A_40 : memref<128xf32, #tpu.memory_space<vmem>>) offsets(%dma_start3A_42 : memref<128xi32, #tpu.memory_space<vmem>>) semaphore(%arg9 : memref<!tpu.dma_semaphore, #tpu.memory_space<semaphore_mem>>)
      %dma_start3A_45 = arith.constant 640 : i32
      %dma_start3A_46 = tpu.memref_slice %arg8[%dma_start3A_45] : memref<4096xf32, #tpu.memory_space<vmem>> -> memref<128xf32, #tpu.memory_space<vmem>>
      %dma_start3A_47 = arith.constant 640 : i32
      %dma_start3A_48 = tpu.memref_slice %arg7[%dma_start3A_47] : memref<4096xi32, #tpu.memory_space<vmem>> -> memref<128xi32, #tpu.memory_space<vmem>>
      %dma_start3A_49 = arith.constant 0 : i32
      %dma_start3A_50 = tpu.memref_slice %arg3[%dma_start3A_49] : memref<2600000xf32, #tpu.memory_space<hbm>> -> memref<2600000xf32, #tpu.memory_space<hbm>>
      tpu.enqueue_indirect_dma source(%dma_start3A_50 : memref<2600000xf32, #tpu.memory_space<hbm>>) target(%dma_start3A_46 : memref<128xf32, #tpu.memory_space<vmem>>) offsets(%dma_start3A_48 : memref<128xi32, #tpu.memory_space<vmem>>) semaphore(%arg9 : memref<!tpu.dma_semaphore, #tpu.memory_space<semaphore_mem>>)
      %dma_start3A_51 = arith.constant 768 : i32
      %dma_start3A_52 = tpu.memref_slice %arg8[%dma_start3A_51] : memref<4096xf32, #tpu.memory_space<vmem>> -> memref<128xf32, #tpu.memory_space<vmem>>
      %dma_start3A_53 = arith.constant 768 : i32
      %dma_start3A_54 = tpu.memref_slice %arg7[%dma_start3A_53] : memref<4096xi32, #tpu.memory_space<vmem>> -> memref<128xi32, #tpu.memory_space<vmem>>
      %dma_start3A_55 = arith.constant 0 : i32
      %dma_start3A_56 = tpu.memref_slice %arg3[%dma_start3A_55] : memref<2600000xf32, #tpu.memory_space<hbm>> -> memref<2600000xf32, #tpu.memory_space<hbm>>
      tpu.enqueue_indirect_dma source(%dma_start3A_56 : memref<2600000xf32, #tpu.memory_space<hbm>>) target(%dma_start3A_52 : memref<128xf32, #tpu.memory_space<vmem>>) offsets(%dma_start3A_54 : memref<128xi32, #tpu.memory_space<vmem>>) semaphore(%arg9 : memref<!tpu.dma_semaphore, #tpu.memory_space<semaphore_mem>>)
      %dma_start3A_57 = arith.constant 896 : i32
      %dma_start3A_58 = tpu.memref_slice %arg8[%dma_start3A_57] : memref<4096xf32, #tpu.memory_space<vmem>> -> memref<128xf32, #tpu.memory_space<vmem>>
      %dma_start3A_59 = arith.constant 896 : i32
      %dma_start3A_60 = tpu.memref_slice %arg7[%dma_start3A_59] : memref<4096xi32, #tpu.memory_space<vmem>> -> memref<128xi32, #tpu.memory_space<vmem>>
      %dma_start3A_61 = arith.constant 0 : i32
      %dma_start3A_62 = tpu.memref_slice %arg3[%dma_start3A_61] : memref<2600000xf32, #tpu.memory_space<hbm>> -> memref<2600000xf32, #tpu.memory_space<hbm>>
      tpu.enqueue_indirect_dma source(%dma_start3A_62 : memref<2600000xf32, #tpu.memory_space<hbm>>) target(%dma_start3A_58 : memref<128xf32, #tpu.memory_space<vmem>>) offsets(%dma_start3A_60 : memref<128xi32, #tpu.memory_space<vmem>>) semaphore(%arg9 : memref<!tpu.dma_semaphore, #tpu.memory_space<semaphore_mem>>)
      %dma_start3A_63 = arith.constant 1024 : i32
      %dma_start3A_64 = tpu.memref_slice %arg8[%dma_start3A_63] : memref<4096xf32, #tpu.memory_space<vmem>> -> memref<128xf32, #tpu.memory_space<vmem>>
      %dma_start3A_65 = arith.constant 1024 : i32
      %dma_start3A_66 = tpu.memref_slice %arg7[%dma_start3A_65] : memref<4096xi32, #tpu.memory_space<vmem>> -> memref<128xi32, #tpu.memory_space<vmem>>
      %dma_start3A_67 = arith.constant 0 : i32
      %dma_start3A_68 = tpu.memref_slice %arg3[%dma_start3A_67] : memref<2600000xf32, #tpu.memory_space<hbm>> -> memref<2600000xf32, #tpu.memory_space<hbm>>
      tpu.enqueue_indirect_dma source(%dma_start3A_68 : memref<2600000xf32, #tpu.memory_space<hbm>>) target(%dma_start3A_64 : memref<128xf32, #tpu.memory_space<vmem>>) offsets(%dma_start3A_66 : memref<128xi32, #tpu.memory_space<vmem>>) semaphore(%arg9 : memref<!tpu.dma_semaphore, #tpu.memory_space<semaphore_mem>>)
      %dma_start3A_69 = arith.constant 1152 : i32
      %dma_start3A_70 = tpu.memref_slice %arg8[%dma_start3A_69] : memref<4096xf32, #tpu.memory_space<vmem>> -> memref<128xf32, #tpu.memory_space<vmem>>
      %dma_start3A_71 = arith.constant 1152 : i32
      %dma_start3A_72 = tpu.memref_slice %arg7[%dma_start3A_71] : memref<4096xi32, #tpu.memory_space<vmem>> -> memref<128xi32, #tpu.memory_space<vmem>>
      %dma_start3A_73 = arith.constant 0 : i32
      %dma_start3A_74 = tpu.memref_slice %arg3[%dma_start3A_73] : memref<2600000xf32, #tpu.memory_space<hbm>> -> memref<2600000xf32, #tpu.memory_space<hbm>>
      tpu.enqueue_indirect_dma source(%dma_start3A_74 : memref<2600000xf32, #tpu.memory_space<hbm>>) target(%dma_start3A_70 : memref<128xf32, #tpu.memory_space<vmem>>) offsets(%dma_start3A_72 : memref<128xi32, #tpu.memory_space<vmem>>) semaphore(%arg9 : memref<!tpu.dma_semaphore, #tpu.memory_space<semaphore_mem>>)
      %dma_start3A_75 = arith.constant 1280 : i32
      %dma_start3A_76 = tpu.memref_slice %arg8[%dma_start3A_75] : memref<4096xf32, #tpu.memory_space<vmem>> -> memref<128xf32, #tpu.memory_space<vmem>>
      %dma_start3A_77 = arith.constant 1280 : i32
      %dma_start3A_78 = tpu.memref_slice %arg7[%dma_start3A_77] : memref<4096xi32, #tpu.memory_space<vmem>> -> memref<128xi32, #tpu.memory_space<vmem>>
      %dma_start3A_79 = arith.constant 0 : i32
      %dma_start3A_80 = tpu.memref_slice %arg3[%dma_start3A_79] : memref<2600000xf32, #tpu.memory_space<hbm>> -> memref<2600000xf32, #tpu.memory_space<hbm>>
      tpu.enqueue_indirect_dma source(%dma_start3A_80 : memref<2600000xf32, #tpu.memory_space<hbm>>) target(%dma_start3A_76 : memref<128xf32, #tpu.memory_space<vmem>>) offsets(%dma_start3A_78 : memref<128xi32, #tpu.memory_space<vmem>>) semaphore(%arg9 : memref<!tpu.dma_semaphore, #tpu.memory_space<semaphore_mem>>)
      %dma_start3A_81 = arith.constant 1408 : i32
      %dma_start3A_82 = tpu.memref_slice %arg8[%dma_start3A_81] : memref<4096xf32, #tpu.memory_space<vmem>> -> memref<128xf32, #tpu.memory_space<vmem>>
      %dma_start3A_83 = arith.constant 1408 : i32
      %dma_start3A_84 = tpu.memref_slice %arg7[%dma_start3A_83] : memref<4096xi32, #tpu.memory_space<vmem>> -> memref<128xi32, #tpu.memory_space<vmem>>
      %dma_start3A_85 = arith.constant 0 : i32
      %dma_start3A_86 = tpu.memref_slice %arg3[%dma_start3A_85] : memref<2600000xf32, #tpu.memory_space<hbm>> -> memref<2600000xf32, #tpu.memory_space<hbm>>
      tpu.enqueue_indirect_dma source(%dma_start3A_86 : memref<2600000xf32, #tpu.memory_space<hbm>>) target(%dma_start3A_82 : memref<128xf32, #tpu.memory_space<vmem>>) offsets(%dma_start3A_84 : memref<128xi32, #tpu.memory_space<vmem>>) semaphore(%arg9 : memref<!tpu.dma_semaphore, #tpu.memory_space<semaphore_mem>>)
      %dma_start3A_87 = arith.constant 1536 : i32
      %dma_start3A_88 = tpu.memref_slice %arg8[%dma_start3A_87] : memref<4096xf32, #tpu.memory_space<vmem>> -> memref<128xf32, #tpu.memory_space<vmem>>
      %dma_start3A_89 = arith.constant 1536 : i32
      %dma_start3A_90 = tpu.memref_slice %arg7[%dma_start3A_89] : memref<4096xi32, #tpu.memory_space<vmem>> -> memref<128xi32, #tpu.memory_space<vmem>>
      %dma_start3A_91 = arith.constant 0 : i32
      %dma_start3A_92 = tpu.memref_slice %arg3[%dma_start3A_91] : memref<2600000xf32, #tpu.memory_space<hbm>> -> memref<2600000xf32, #tpu.memory_space<hbm>>
      tpu.enqueue_indirect_dma source(%dma_start3A_92 : memref<2600000xf32, #tpu.memory_space<hbm>>) target(%dma_start3A_88 : memref<128xf32, #tpu.memory_space<vmem>>) offsets(%dma_start3A_90 : memref<128xi32, #tpu.memory_space<vmem>>) semaphore(%arg9 : memref<!tpu.dma_semaphore, #tpu.memory_space<semaphore_mem>>)
      %dma_start3A_93 = arith.constant 1664 : i32
      %dma_start3A_94 = tpu.memref_slice %arg8[%dma_start3A_93] : memref<4096xf32, #tpu.memory_space<vmem>> -> memref<128xf32, #tpu.memory_space<vmem>>
      %dma_start3A_95 = arith.constant 1664 : i32
      %dma_start3A_96 = tpu.memref_slice %arg7[%dma_start3A_95] : memref<4096xi32, #tpu.memory_space<vmem>> -> memref<128xi32, #tpu.memory_space<vmem>>
      %dma_start3A_97 = arith.constant 0 : i32
      %dma_start3A_98 = tpu.memref_slice %arg3[%dma_start3A_97] : memref<2600000xf32, #tpu.memory_space<hbm>> -> memref<2600000xf32, #tpu.memory_space<hbm>>
      tpu.enqueue_indirect_dma source(%dma_start3A_98 : memref<2600000xf32, #tpu.memory_space<hbm>>) target(%dma_start3A_94 : memref<128xf32, #tpu.memory_space<vmem>>) offsets(%dma_start3A_96 : memref<128xi32, #tpu.memory_space<vmem>>) semaphore(%arg9 : memref<!tpu.dma_semaphore, #tpu.memory_space<semaphore_mem>>)
      %dma_start3A_99 = arith.constant 1792 : i32
      %dma_start3A_100 = tpu.memref_slice %arg8[%dma_start3A_99] : memref<4096xf32, #tpu.memory_space<vmem>> -> memref<128xf32, #tpu.memory_space<vmem>>
      %dma_start3A_101 = arith.constant 1792 : i32
      %dma_start3A_102 = tpu.memref_slice %arg7[%dma_start3A_101] : memref<4096xi32, #tpu.memory_space<vmem>> -> memref<128xi32, #tpu.memory_space<vmem>>
      %dma_start3A_103 = arith.constant 0 : i32
      %dma_start3A_104 = tpu.memref_slice %arg3[%dma_start3A_103] : memref<2600000xf32, #tpu.memory_space<hbm>> -> memref<2600000xf32, #tpu.memory_space<hbm>>
      tpu.enqueue_indirect_dma source(%dma_start3A_104 : memref<2600000xf32, #tpu.memory_space<hbm>>) target(%dma_start3A_100 : memref<128xf32, #tpu.memory_space<vmem>>) offsets(%dma_start3A_102 : memref<128xi32, #tpu.memory_space<vmem>>) semaphore(%arg9 : memref<!tpu.dma_semaphore, #tpu.memory_space<semaphore_mem>>)
      %dma_start3A_105 = arith.constant 1920 : i32
      %dma_start3A_106 = tpu.memref_slice %arg8[%dma_start3A_105] : memref<4096xf32, #tpu.memory_space<vmem>> -> memref<128xf32, #tpu.memory_space<vmem>>
      %dma_start3A_107 = arith.constant 1920 : i32
      %dma_start3A_108 = tpu.memref_slice %arg7[%dma_start3A_107] : memref<4096xi32, #tpu.memory_space<vmem>> -> memref<128xi32, #tpu.memory_space<vmem>>
      %dma_start3A_109 = arith.constant 0 : i32
      %dma_start3A_110 = tpu.memref_slice %arg3[%dma_start3A_109] : memref<2600000xf32, #tpu.memory_space<hbm>> -> memref<2600000xf32, #tpu.memory_space<hbm>>
      tpu.enqueue_indirect_dma source(%dma_start3A_110 : memref<2600000xf32, #tpu.memory_space<hbm>>) target(%dma_start3A_106 : memref<128xf32, #tpu.memory_space<vmem>>) offsets(%dma_start3A_108 : memref<128xi32, #tpu.memory_space<vmem>>) semaphore(%arg9 : memref<!tpu.dma_semaphore, #tpu.memory_space<semaphore_mem>>)
      %dma_start3A_111 = arith.constant 2048 : i32
      %dma_start3A_112 = tpu.memref_slice %arg8[%dma_start3A_111] : memref<4096xf32, #tpu.memory_space<vmem>> -> memref<128xf32, #tpu.memory_space<vmem>>
      %dma_start3A_113 = arith.constant 2048 : i32
      %dma_start3A_114 = tpu.memref_slice %arg7[%dma_start3A_113] : memref<4096xi32, #tpu.memory_space<vmem>> -> memref<128xi32, #tpu.memory_space<vmem>>
      %dma_start3A_115 = arith.constant 0 : i32
      %dma_start3A_116 = tpu.memref_slice %arg3[%dma_start3A_115] : memref<2600000xf32, #tpu.memory_space<hbm>> -> memref<2600000xf32, #tpu.memory_space<hbm>>
      tpu.enqueue_indirect_dma source(%dma_start3A_116 : memref<2600000xf32, #tpu.memory_space<hbm>>) target(%dma_start3A_112 : memref<128xf32, #tpu.memory_space<vmem>>) offsets(%dma_start3A_114 : memref<128xi32, #tpu.memory_space<vmem>>) semaphore(%arg9 : memref<!tpu.dma_semaphore, #tpu.memory_space<semaphore_mem>>)
      %dma_start3A_117 = arith.constant 2176 : i32
      %dma_start3A_118 = tpu.memref_slice %arg8[%dma_start3A_117] : memref<4096xf32, #tpu.memory_space<vmem>> -> memref<128xf32, #tpu.memory_space<vmem>>
      %dma_start3A_119 = arith.constant 2176 : i32
      %dma_start3A_120 = tpu.memref_slice %arg7[%dma_start3A_119] : memref<4096xi32, #tpu.memory_space<vmem>> -> memref<128xi32, #tpu.memory_space<vmem>>
      %dma_start3A_121 = arith.constant 0 : i32
      %dma_start3A_122 = tpu.memref_slice %arg3[%dma_start3A_121] : memref<2600000xf32, #tpu.memory_space<hbm>> -> memref<2600000xf32, #tpu.memory_space<hbm>>
      tpu.enqueue_indirect_dma source(%dma_start3A_122 : memref<2600000xf32, #tpu.memory_space<hbm>>) target(%dma_start3A_118 : memref<128xf32, #tpu.memory_space<vmem>>) offsets(%dma_start3A_120 : memref<128xi32, #tpu.memory_space<vmem>>) semaphore(%arg9 : memref<!tpu.dma_semaphore, #tpu.memory_space<semaphore_mem>>)
      %dma_start3A_123 = arith.constant 2304 : i32
      %dma_start3A_124 = tpu.memref_slice %arg8[%dma_start3A_123] : memref<4096xf32, #tpu.memory_space<vmem>> -> memref<128xf32, #tpu.memory_space<vmem>>
      %dma_start3A_125 = arith.constant 2304 : i32
      %dma_start3A_126 = tpu.memref_slice %arg7[%dma_start3A_125] : memref<4096xi32, #tpu.memory_space<vmem>> -> memref<128xi32, #tpu.memory_space<vmem>>
      %dma_start3A_127 = arith.constant 0 : i32
      %dma_start3A_128 = tpu.memref_slice %arg3[%dma_start3A_127] : memref<2600000xf32, #tpu.memory_space<hbm>> -> memref<2600000xf32, #tpu.memory_space<hbm>>
      tpu.enqueue_indirect_dma source(%dma_start3A_128 : memref<2600000xf32, #tpu.memory_space<hbm>>) target(%dma_start3A_124 : memref<128xf32, #tpu.memory_space<vmem>>) offsets(%dma_start3A_126 : memref<128xi32, #tpu.memory_space<vmem>>) semaphore(%arg9 : memref<!tpu.dma_semaphore, #tpu.memory_space<semaphore_mem>>)
      %dma_start3A_129 = arith.constant 2432 : i32
      %dma_start3A_130 = tpu.memref_slice %arg8[%dma_start3A_129] : memref<4096xf32, #tpu.memory_space<vmem>> -> memref<128xf32, #tpu.memory_space<vmem>>
      %dma_start3A_131 = arith.constant 2432 : i32
      %dma_start3A_132 = tpu.memref_slice %arg7[%dma_start3A_131] : memref<4096xi32, #tpu.memory_space<vmem>> -> memref<128xi32, #tpu.memory_space<vmem>>
      %dma_start3A_133 = arith.constant 0 : i32
      %dma_start3A_134 = tpu.memref_slice %arg3[%dma_start3A_133] : memref<2600000xf32, #tpu.memory_space<hbm>> -> memref<2600000xf32, #tpu.memory_space<hbm>>
      tpu.enqueue_indirect_dma source(%dma_start3A_134 : memref<2600000xf32, #tpu.memory_space<hbm>>) target(%dma_start3A_130 : memref<128xf32, #tpu.memory_space<vmem>>) offsets(%dma_start3A_132 : memref<128xi32, #tpu.memory_space<vmem>>) semaphore(%arg9 : memref<!tpu.dma_semaphore, #tpu.memory_space<semaphore_mem>>)
      %dma_start3A_135 = arith.constant 2560 : i32
      %dma_start3A_136 = tpu.memref_slice %arg8[%dma_start3A_135] : memref<4096xf32, #tpu.memory_space<vmem>> -> memref<128xf32, #tpu.memory_space<vmem>>
      %dma_start3A_137 = arith.constant 2560 : i32
      %dma_start3A_138 = tpu.memref_slice %arg7[%dma_start3A_137] : memref<4096xi32, #tpu.memory_space<vmem>> -> memref<128xi32, #tpu.memory_space<vmem>>
      %dma_start3A_139 = arith.constant 0 : i32
      %dma_start3A_140 = tpu.memref_slice %arg3[%dma_start3A_139] : memref<2600000xf32, #tpu.memory_space<hbm>> -> memref<2600000xf32, #tpu.memory_space<hbm>>
      tpu.enqueue_indirect_dma source(%dma_start3A_140 : memref<2600000xf32, #tpu.memory_space<hbm>>) target(%dma_start3A_136 : memref<128xf32, #tpu.memory_space<vmem>>) offsets(%dma_start3A_138 : memref<128xi32, #tpu.memory_space<vmem>>) semaphore(%arg9 : memref<!tpu.dma_semaphore, #tpu.memory_space<semaphore_mem>>)
      %dma_start3A_141 = arith.constant 2688 : i32
      %dma_start3A_142 = tpu.memref_slice %arg8[%dma_start3A_141] : memref<4096xf32, #tpu.memory_space<vmem>> -> memref<128xf32, #tpu.memory_space<vmem>>
      %dma_start3A_143 = arith.constant 2688 : i32
      %dma_start3A_144 = tpu.memref_slice %arg7[%dma_start3A_143] : memref<4096xi32, #tpu.memory_space<vmem>> -> memref<128xi32, #tpu.memory_space<vmem>>
      %dma_start3A_145 = arith.constant 0 : i32
      %dma_start3A_146 = tpu.memref_slice %arg3[%dma_start3A_145] : memref<2600000xf32, #tpu.memory_space<hbm>> -> memref<2600000xf32, #tpu.memory_space<hbm>>
      tpu.enqueue_indirect_dma source(%dma_start3A_146 : memref<2600000xf32, #tpu.memory_space<hbm>>) target(%dma_start3A_142 : memref<128xf32, #tpu.memory_space<vmem>>) offsets(%dma_start3A_144 : memref<128xi32, #tpu.memory_space<vmem>>) semaphore(%arg9 : memref<!tpu.dma_semaphore, #tpu.memory_space<semaphore_mem>>)
      %dma_start3A_147 = arith.constant 2816 : i32
      %dma_start3A_148 = tpu.memref_slice %arg8[%dma_start3A_147] : memref<4096xf32, #tpu.memory_space<vmem>> -> memref<128xf32, #tpu.memory_space<vmem>>
      %dma_start3A_149 = arith.constant 2816 : i32
      %dma_start3A_150 = tpu.memref_slice %arg7[%dma_start3A_149] : memref<4096xi32, #tpu.memory_space<vmem>> -> memref<128xi32, #tpu.memory_space<vmem>>
      %dma_start3A_151 = arith.constant 0 : i32
      %dma_start3A_152 = tpu.memref_slice %arg3[%dma_start3A_151] : memref<2600000xf32, #tpu.memory_space<hbm>> -> memref<2600000xf32, #tpu.memory_space<hbm>>
      tpu.enqueue_indirect_dma source(%dma_start3A_152 : memref<2600000xf32, #tpu.memory_space<hbm>>) target(%dma_start3A_148 : memref<128xf32, #tpu.memory_space<vmem>>) offsets(%dma_start3A_150 : memref<128xi32, #tpu.memory_space<vmem>>) semaphore(%arg9 : memref<!tpu.dma_semaphore, #tpu.memory_space<semaphore_mem>>)
      %dma_start3A_153 = arith.constant 2944 : i32
      %dma_start3A_154 = tpu.memref_slice %arg8[%dma_start3A_153] : memref<4096xf32, #tpu.memory_space<vmem>> -> memref<128xf32, #tpu.memory_space<vmem>>
      %dma_start3A_155 = arith.constant 2944 : i32
      %dma_start3A_156 = tpu.memref_slice %arg7[%dma_start3A_155] : memref<4096xi32, #tpu.memory_space<vmem>> -> memref<128xi32, #tpu.memory_space<vmem>>
      %dma_start3A_157 = arith.constant 0 : i32
      %dma_start3A_158 = tpu.memref_slice %arg3[%dma_start3A_157] : memref<2600000xf32, #tpu.memory_space<hbm>> -> memref<2600000xf32, #tpu.memory_space<hbm>>
      tpu.enqueue_indirect_dma source(%dma_start3A_158 : memref<2600000xf32, #tpu.memory_space<hbm>>) target(%dma_start3A_154 : memref<128xf32, #tpu.memory_space<vmem>>) offsets(%dma_start3A_156 : memref<128xi32, #tpu.memory_space<vmem>>) semaphore(%arg9 : memref<!tpu.dma_semaphore, #tpu.memory_space<semaphore_mem>>)
      %dma_start3A_159 = arith.constant 3072 : i32
      %dma_start3A_160 = tpu.memref_slice %arg8[%dma_start3A_159] : memref<4096xf32, #tpu.memory_space<vmem>> -> memref<128xf32, #tpu.memory_space<vmem>>
      %dma_start3A_161 = arith.constant 3072 : i32
      %dma_start3A_162 = tpu.memref_slice %arg7[%dma_start3A_161] : memref<4096xi32, #tpu.memory_space<vmem>> -> memref<128xi32, #tpu.memory_space<vmem>>
      %dma_start3A_163 = arith.constant 0 : i32
      %dma_start3A_164 = tpu.memref_slice %arg3[%dma_start3A_163] : memref<2600000xf32, #tpu.memory_space<hbm>> -> memref<2600000xf32, #tpu.memory_space<hbm>>
      tpu.enqueue_indirect_dma source(%dma_start3A_164 : memref<2600000xf32, #tpu.memory_space<hbm>>) target(%dma_start3A_160 : memref<128xf32, #tpu.memory_space<vmem>>) offsets(%dma_start3A_162 : memref<128xi32, #tpu.memory_space<vmem>>) semaphore(%arg9 : memref<!tpu.dma_semaphore, #tpu.memory_space<semaphore_mem>>)
      %dma_start3A_165 = arith.constant 3200 : i32
      %dma_start3A_166 = tpu.memref_slice %arg8[%dma_start3A_165] : memref<4096xf32, #tpu.memory_space<vmem>> -> memref<128xf32, #tpu.memory_space<vmem>>
      %dma_start3A_167 = arith.constant 3200 : i32
      %dma_start3A_168 = tpu.memref_slice %arg7[%dma_start3A_167] : memref<4096xi32, #tpu.memory_space<vmem>> -> memref<128xi32, #tpu.memory_space<vmem>>
      %dma_start3A_169 = arith.constant 0 : i32
      %dma_start3A_170 = tpu.memref_slice %arg3[%dma_start3A_169] : memref<2600000xf32, #tpu.memory_space<hbm>> -> memref<2600000xf32, #tpu.memory_space<hbm>>
      tpu.enqueue_indirect_dma source(%dma_start3A_170 : memref<2600000xf32, #tpu.memory_space<hbm>>) target(%dma_start3A_166 : memref<128xf32, #tpu.memory_space<vmem>>) offsets(%dma_start3A_168 : memref<128xi32, #tpu.memory_space<vmem>>) semaphore(%arg9 : memref<!tpu.dma_semaphore, #tpu.memory_space<semaphore_mem>>)
      %dma_start3A_171 = arith.constant 3328 : i32
      %dma_start3A_172 = tpu.memref_slice %arg8[%dma_start3A_171] : memref<4096xf32, #tpu.memory_space<vmem>> -> memref<128xf32, #tpu.memory_space<vmem>>
      %dma_start3A_173 = arith.constant 3328 : i32
      %dma_start3A_174 = tpu.memref_slice %arg7[%dma_start3A_173] : memref<4096xi32, #tpu.memory_space<vmem>> -> memref<128xi32, #tpu.memory_space<vmem>>
      %dma_start3A_175 = arith.constant 0 : i32
      %dma_start3A_176 = tpu.memref_slice %arg3[%dma_start3A_175] : memref<2600000xf32, #tpu.memory_space<hbm>> -> memref<2600000xf32, #tpu.memory_space<hbm>>
      tpu.enqueue_indirect_dma source(%dma_start3A_176 : memref<2600000xf32, #tpu.memory_space<hbm>>) target(%dma_start3A_172 : memref<128xf32, #tpu.memory_space<vmem>>) offsets(%dma_start3A_174 : memref<128xi32, #tpu.memory_space<vmem>>) semaphore(%arg9 : memref<!tpu.dma_semaphore, #tpu.memory_space<semaphore_mem>>)
      %dma_start3A_177 = arith.constant 3456 : i32
      %dma_start3A_178 = tpu.memref_slice %arg8[%dma_start3A_177] : memref<4096xf32, #tpu.memory_space<vmem>> -> memref<128xf32, #tpu.memory_space<vmem>>
      %dma_start3A_179 = arith.constant 3456 : i32
      %dma_start3A_180 = tpu.memref_slice %arg7[%dma_start3A_179] : memref<4096xi32, #tpu.memory_space<vmem>> -> memref<128xi32, #tpu.memory_space<vmem>>
      %dma_start3A_181 = arith.constant 0 : i32
      %dma_start3A_182 = tpu.memref_slice %arg3[%dma_start3A_181] : memref<2600000xf32, #tpu.memory_space<hbm>> -> memref<2600000xf32, #tpu.memory_space<hbm>>
      tpu.enqueue_indirect_dma source(%dma_start3A_182 : memref<2600000xf32, #tpu.memory_space<hbm>>) target(%dma_start3A_178 : memref<128xf32, #tpu.memory_space<vmem>>) offsets(%dma_start3A_180 : memref<128xi32, #tpu.memory_space<vmem>>) semaphore(%arg9 : memref<!tpu.dma_semaphore, #tpu.memory_space<semaphore_mem>>)
      %dma_start3A_183 = arith.constant 3584 : i32
      %dma_start3A_184 = tpu.memref_slice %arg8[%dma_start3A_183] : memref<4096xf32, #tpu.memory_space<vmem>> -> memref<128xf32, #tpu.memory_space<vmem>>
      %dma_start3A_185 = arith.constant 3584 : i32
      %dma_start3A_186 = tpu.memref_slice %arg7[%dma_start3A_185] : memref<4096xi32, #tpu.memory_space<vmem>> -> memref<128xi32, #tpu.memory_space<vmem>>
      %dma_start3A_187 = arith.constant 0 : i32
      %dma_start3A_188 = tpu.memref_slice %arg3[%dma_start3A_187] : memref<2600000xf32, #tpu.memory_space<hbm>> -> memref<2600000xf32, #tpu.memory_space<hbm>>
      tpu.enqueue_indirect_dma source(%dma_start3A_188 : memref<2600000xf32, #tpu.memory_space<hbm>>) target(%dma_start3A_184 : memref<128xf32, #tpu.memory_space<vmem>>) offsets(%dma_start3A_186 : memref<128xi32, #tpu.memory_space<vmem>>) semaphore(%arg9 : memref<!tpu.dma_semaphore, #tpu.memory_space<semaphore_mem>>)
      %dma_start3A_189 = arith.constant 3712 : i32
      %dma_start3A_190 = tpu.memref_slice %arg8[%dma_start3A_189] : memref<4096xf32, #tpu.memory_space<vmem>> -> memref<128xf32, #tpu.memory_space<vmem>>
      %dma_start3A_191 = arith.constant 3712 : i32
      %dma_start3A_192 = tpu.memref_slice %arg7[%dma_start3A_191] : memref<4096xi32, #tpu.memory_space<vmem>> -> memref<128xi32, #tpu.memory_space<vmem>>
      %dma_start3A_193 = arith.constant 0 : i32
      %dma_start3A_194 = tpu.memref_slice %arg3[%dma_start3A_193] : memref<2600000xf32, #tpu.memory_space<hbm>> -> memref<2600000xf32, #tpu.memory_space<hbm>>
      tpu.enqueue_indirect_dma source(%dma_start3A_194 : memref<2600000xf32, #tpu.memory_space<hbm>>) target(%dma_start3A_190 : memref<128xf32, #tpu.memory_space<vmem>>) offsets(%dma_start3A_192 : memref<128xi32, #tpu.memory_space<vmem>>) semaphore(%arg9 : memref<!tpu.dma_semaphore, #tpu.memory_space<semaphore_mem>>)
      %dma_start3A_195 = arith.constant 3840 : i32
      %dma_start3A_196 = tpu.memref_slice %arg8[%dma_start3A_195] : memref<4096xf32, #tpu.memory_space<vmem>> -> memref<128xf32, #tpu.memory_space<vmem>>
      %dma_start3A_197 = arith.constant 3840 : i32
      %dma_start3A_198 = tpu.memref_slice %arg7[%dma_start3A_197] : memref<4096xi32, #tpu.memory_space<vmem>> -> memref<128xi32, #tpu.memory_space<vmem>>
      %dma_start3A_199 = arith.constant 0 : i32
      %dma_start3A_200 = tpu.memref_slice %arg3[%dma_start3A_199] : memref<2600000xf32, #tpu.memory_space<hbm>> -> memref<2600000xf32, #tpu.memory_space<hbm>>
      tpu.enqueue_indirect_dma source(%dma_start3A_200 : memref<2600000xf32, #tpu.memory_space<hbm>>) target(%dma_start3A_196 : memref<128xf32, #tpu.memory_space<vmem>>) offsets(%dma_start3A_198 : memref<128xi32, #tpu.memory_space<vmem>>) semaphore(%arg9 : memref<!tpu.dma_semaphore, #tpu.memory_space<semaphore_mem>>)
      %dma_start3A_201 = arith.constant 3968 : i32
      %dma_start3A_202 = tpu.memref_slice %arg8[%dma_start3A_201] : memref<4096xf32, #tpu.memory_space<vmem>> -> memref<128xf32, #tpu.memory_space<vmem>>
      %dma_start3A_203 = arith.constant 3968 : i32
      %dma_start3A_204 = tpu.memref_slice %arg7[%dma_start3A_203] : memref<4096xi32, #tpu.memory_space<vmem>> -> memref<128xi32, #tpu.memory_space<vmem>>
      %dma_start3A_205 = arith.constant 0 : i32
      %dma_start3A_206 = tpu.memref_slice %arg3[%dma_start3A_205] : memref<2600000xf32, #tpu.memory_space<hbm>> -> memref<2600000xf32, #tpu.memory_space<hbm>>
      tpu.enqueue_indirect_dma source(%dma_start3A_206 : memref<2600000xf32, #tpu.memory_space<hbm>>) target(%dma_start3A_202 : memref<128xf32, #tpu.memory_space<vmem>>) offsets(%dma_start3A_204 : memref<128xi32, #tpu.memory_space<vmem>>) semaphore(%arg9 : memref<!tpu.dma_semaphore, #tpu.memory_space<semaphore_mem>>)
      %dma_wait3A = arith.constant 0 : i32
      %dma_wait3A_207 = tpu.memref_slice %arg8[%dma_wait3A] : memref<4096xf32, #tpu.memory_space<vmem>> -> memref<128xf32, #tpu.memory_space<vmem>>
      %dma_wait3A_208 = arith.constant 0 : i32
      %dma_wait3A_209 = tpu.memref_slice %arg7[%dma_wait3A_208] : memref<4096xi32, #tpu.memory_space<vmem>> -> memref<128xi32, #tpu.memory_space<vmem>>
      %dma_wait3A_210 = arith.constant 0 : i32
      %dma_wait3A_211 = tpu.memref_slice %arg3[%dma_wait3A_210] : memref<2600000xf32, #tpu.memory_space<hbm>> -> memref<2600000xf32, #tpu.memory_space<hbm>>
      tpu.wait_indirect_dma semaphore(%arg9 : memref<!tpu.dma_semaphore, #tpu.memory_space<semaphore_mem>>) src(%dma_wait3A_211 : memref<2600000xf32, #tpu.memory_space<hbm>>) dst(%dma_wait3A_207 : memref<128xf32, #tpu.memory_space<vmem>>)
      %dma_wait3A_212 = arith.constant 128 : i32
      %dma_wait3A_213 = tpu.memref_slice %arg8[%dma_wait3A_212] : memref<4096xf32, #tpu.memory_space<vmem>> -> memref<128xf32, #tpu.memory_space<vmem>>
      %dma_wait3A_214 = arith.constant 128 : i32
      %dma_wait3A_215 = tpu.memref_slice %arg7[%dma_wait3A_214] : memref<4096xi32, #tpu.memory_space<vmem>> -> memref<128xi32, #tpu.memory_space<vmem>>
      %dma_wait3A_216 = arith.constant 0 : i32
      %dma_wait3A_217 = tpu.memref_slice %arg3[%dma_wait3A_216] : memref<2600000xf32, #tpu.memory_space<hbm>> -> memref<2600000xf32, #tpu.memory_space<hbm>>
      tpu.wait_indirect_dma semaphore(%arg9 : memref<!tpu.dma_semaphore, #tpu.memory_space<semaphore_mem>>) src(%dma_wait3A_217 : memref<2600000xf32, #tpu.memory_space<hbm>>) dst(%dma_wait3A_213 : memref<128xf32, #tpu.memory_space<vmem>>)
      %dma_wait3A_218 = arith.constant 256 : i32
      %dma_wait3A_219 = tpu.memref_slice %arg8[%dma_wait3A_218] : memref<4096xf32, #tpu.memory_space<vmem>> -> memref<128xf32, #tpu.memory_space<vmem>>
      %dma_wait3A_220 = arith.constant 256 : i32
      %dma_wait3A_221 = tpu.memref_slice %arg7[%dma_wait3A_220] : memref<4096xi32, #tpu.memory_space<vmem>> -> memref<128xi32, #tpu.memory_space<vmem>>
      %dma_wait3A_222 = arith.constant 0 : i32
      %dma_wait3A_223 = tpu.memref_slice %arg3[%dma_wait3A_222] : memref<2600000xf32, #tpu.memory_space<hbm>> -> memref<2600000xf32, #tpu.memory_space<hbm>>
      tpu.wait_indirect_dma semaphore(%arg9 : memref<!tpu.dma_semaphore, #tpu.memory_space<semaphore_mem>>) src(%dma_wait3A_223 : memref<2600000xf32, #tpu.memory_space<hbm>>) dst(%dma_wait3A_219 : memref<128xf32, #tpu.memory_space<vmem>>)
      %dma_wait3A_224 = arith.constant 384 : i32
      %dma_wait3A_225 = tpu.memref_slice %arg8[%dma_wait3A_224] : memref<4096xf32, #tpu.memory_space<vmem>> -> memref<128xf32, #tpu.memory_space<vmem>>
      %dma_wait3A_226 = arith.constant 384 : i32
      %dma_wait3A_227 = tpu.memref_slice %arg7[%dma_wait3A_226] : memref<4096xi32, #tpu.memory_space<vmem>> -> memref<128xi32, #tpu.memory_space<vmem>>
      %dma_wait3A_228 = arith.constant 0 : i32
      %dma_wait3A_229 = tpu.memref_slice %arg3[%dma_wait3A_228] : memref<2600000xf32, #tpu.memory_space<hbm>> -> memref<2600000xf32, #tpu.memory_space<hbm>>
      tpu.wait_indirect_dma semaphore(%arg9 : memref<!tpu.dma_semaphore, #tpu.memory_space<semaphore_mem>>) src(%dma_wait3A_229 : memref<2600000xf32, #tpu.memory_space<hbm>>) dst(%dma_wait3A_225 : memref<128xf32, #tpu.memory_space<vmem>>)
      %dma_wait3A_230 = arith.constant 512 : i32
      %dma_wait3A_231 = tpu.memref_slice %arg8[%dma_wait3A_230] : memref<4096xf32, #tpu.memory_space<vmem>> -> memref<128xf32, #tpu.memory_space<vmem>>
      %dma_wait3A_232 = arith.constant 512 : i32
      %dma_wait3A_233 = tpu.memref_slice %arg7[%dma_wait3A_232] : memref<4096xi32, #tpu.memory_space<vmem>> -> memref<128xi32, #tpu.memory_space<vmem>>
      %dma_wait3A_234 = arith.constant 0 : i32
      %dma_wait3A_235 = tpu.memref_slice %arg3[%dma_wait3A_234] : memref<2600000xf32, #tpu.memory_space<hbm>> -> memref<2600000xf32, #tpu.memory_space<hbm>>
      tpu.wait_indirect_dma semaphore(%arg9 : memref<!tpu.dma_semaphore, #tpu.memory_space<semaphore_mem>>) src(%dma_wait3A_235 : memref<2600000xf32, #tpu.memory_space<hbm>>) dst(%dma_wait3A_231 : memref<128xf32, #tpu.memory_space<vmem>>)
      %dma_wait3A_236 = arith.constant 640 : i32
      %dma_wait3A_237 = tpu.memref_slice %arg8[%dma_wait3A_236] : memref<4096xf32, #tpu.memory_space<vmem>> -> memref<128xf32, #tpu.memory_space<vmem>>
      %dma_wait3A_238 = arith.constant 640 : i32
      %dma_wait3A_239 = tpu.memref_slice %arg7[%dma_wait3A_238] : memref<4096xi32, #tpu.memory_space<vmem>> -> memref<128xi32, #tpu.memory_space<vmem>>
      %dma_wait3A_240 = arith.constant 0 : i32
      %dma_wait3A_241 = tpu.memref_slice %arg3[%dma_wait3A_240] : memref<2600000xf32, #tpu.memory_space<hbm>> -> memref<2600000xf32, #tpu.memory_space<hbm>>
      tpu.wait_indirect_dma semaphore(%arg9 : memref<!tpu.dma_semaphore, #tpu.memory_space<semaphore_mem>>) src(%dma_wait3A_241 : memref<2600000xf32, #tpu.memory_space<hbm>>) dst(%dma_wait3A_237 : memref<128xf32, #tpu.memory_space<vmem>>)
      %dma_wait3A_242 = arith.constant 768 : i32
      %dma_wait3A_243 = tpu.memref_slice %arg8[%dma_wait3A_242] : memref<4096xf32, #tpu.memory_space<vmem>> -> memref<128xf32, #tpu.memory_space<vmem>>
      %dma_wait3A_244 = arith.constant 768 : i32
      %dma_wait3A_245 = tpu.memref_slice %arg7[%dma_wait3A_244] : memref<4096xi32, #tpu.memory_space<vmem>> -> memref<128xi32, #tpu.memory_space<vmem>>
      %dma_wait3A_246 = arith.constant 0 : i32
      %dma_wait3A_247 = tpu.memref_slice %arg3[%dma_wait3A_246] : memref<2600000xf32, #tpu.memory_space<hbm>> -> memref<2600000xf32, #tpu.memory_space<hbm>>
      tpu.wait_indirect_dma semaphore(%arg9 : memref<!tpu.dma_semaphore, #tpu.memory_space<semaphore_mem>>) src(%dma_wait3A_247 : memref<2600000xf32, #tpu.memory_space<hbm>>) dst(%dma_wait3A_243 : memref<128xf32, #tpu.memory_space<vmem>>)
      %dma_wait3A_248 = arith.constant 896 : i32
      %dma_wait3A_249 = tpu.memref_slice %arg8[%dma_wait3A_248] : memref<4096xf32, #tpu.memory_space<vmem>> -> memref<128xf32, #tpu.memory_space<vmem>>
      %dma_wait3A_250 = arith.constant 896 : i32
      %dma_wait3A_251 = tpu.memref_slice %arg7[%dma_wait3A_250] : memref<4096xi32, #tpu.memory_space<vmem>> -> memref<128xi32, #tpu.memory_space<vmem>>
      %dma_wait3A_252 = arith.constant 0 : i32
      %dma_wait3A_253 = tpu.memref_slice %arg3[%dma_wait3A_252] : memref<2600000xf32, #tpu.memory_space<hbm>> -> memref<2600000xf32, #tpu.memory_space<hbm>>
      tpu.wait_indirect_dma semaphore(%arg9 : memref<!tpu.dma_semaphore, #tpu.memory_space<semaphore_mem>>) src(%dma_wait3A_253 : memref<2600000xf32, #tpu.memory_space<hbm>>) dst(%dma_wait3A_249 : memref<128xf32, #tpu.memory_space<vmem>>)
      %dma_wait3A_254 = arith.constant 1024 : i32
      %dma_wait3A_255 = tpu.memref_slice %arg8[%dma_wait3A_254] : memref<4096xf32, #tpu.memory_space<vmem>> -> memref<128xf32, #tpu.memory_space<vmem>>
      %dma_wait3A_256 = arith.constant 1024 : i32
      %dma_wait3A_257 = tpu.memref_slice %arg7[%dma_wait3A_256] : memref<4096xi32, #tpu.memory_space<vmem>> -> memref<128xi32, #tpu.memory_space<vmem>>
      %dma_wait3A_258 = arith.constant 0 : i32
      %dma_wait3A_259 = tpu.memref_slice %arg3[%dma_wait3A_258] : memref<2600000xf32, #tpu.memory_space<hbm>> -> memref<2600000xf32, #tpu.memory_space<hbm>>
      tpu.wait_indirect_dma semaphore(%arg9 : memref<!tpu.dma_semaphore, #tpu.memory_space<semaphore_mem>>) src(%dma_wait3A_259 : memref<2600000xf32, #tpu.memory_space<hbm>>) dst(%dma_wait3A_255 : memref<128xf32, #tpu.memory_space<vmem>>)
      %dma_wait3A_260 = arith.constant 1152 : i32
      %dma_wait3A_261 = tpu.memref_slice %arg8[%dma_wait3A_260] : memref<4096xf32, #tpu.memory_space<vmem>> -> memref<128xf32, #tpu.memory_space<vmem>>
      %dma_wait3A_262 = arith.constant 1152 : i32
      %dma_wait3A_263 = tpu.memref_slice %arg7[%dma_wait3A_262] : memref<4096xi32, #tpu.memory_space<vmem>> -> memref<128xi32, #tpu.memory_space<vmem>>
      %dma_wait3A_264 = arith.constant 0 : i32
      %dma_wait3A_265 = tpu.memref_slice %arg3[%dma_wait3A_264] : memref<2600000xf32, #tpu.memory_space<hbm>> -> memref<2600000xf32, #tpu.memory_space<hbm>>
      tpu.wait_indirect_dma semaphore(%arg9 : memref<!tpu.dma_semaphore, #tpu.memory_space<semaphore_mem>>) src(%dma_wait3A_265 : memref<2600000xf32, #tpu.memory_space<hbm>>) dst(%dma_wait3A_261 : memref<128xf32, #tpu.memory_space<vmem>>)
      %dma_wait3A_266 = arith.constant 1280 : i32
      %dma_wait3A_267 = tpu.memref_slice %arg8[%dma_wait3A_266] : memref<4096xf32, #tpu.memory_space<vmem>> -> memref<128xf32, #tpu.memory_space<vmem>>
      %dma_wait3A_268 = arith.constant 1280 : i32
      %dma_wait3A_269 = tpu.memref_slice %arg7[%dma_wait3A_268] : memref<4096xi32, #tpu.memory_space<vmem>> -> memref<128xi32, #tpu.memory_space<vmem>>
      %dma_wait3A_270 = arith.constant 0 : i32
      %dma_wait3A_271 = tpu.memref_slice %arg3[%dma_wait3A_270] : memref<2600000xf32, #tpu.memory_space<hbm>> -> memref<2600000xf32, #tpu.memory_space<hbm>>
      tpu.wait_indirect_dma semaphore(%arg9 : memref<!tpu.dma_semaphore, #tpu.memory_space<semaphore_mem>>) src(%dma_wait3A_271 : memref<2600000xf32, #tpu.memory_space<hbm>>) dst(%dma_wait3A_267 : memref<128xf32, #tpu.memory_space<vmem>>)
      %dma_wait3A_272 = arith.constant 1408 : i32
      %dma_wait3A_273 = tpu.memref_slice %arg8[%dma_wait3A_272] : memref<4096xf32, #tpu.memory_space<vmem>> -> memref<128xf32, #tpu.memory_space<vmem>>
      %dma_wait3A_274 = arith.constant 1408 : i32
      %dma_wait3A_275 = tpu.memref_slice %arg7[%dma_wait3A_274] : memref<4096xi32, #tpu.memory_space<vmem>> -> memref<128xi32, #tpu.memory_space<vmem>>
      %dma_wait3A_276 = arith.constant 0 : i32
      %dma_wait3A_277 = tpu.memref_slice %arg3[%dma_wait3A_276] : memref<2600000xf32, #tpu.memory_space<hbm>> -> memref<2600000xf32, #tpu.memory_space<hbm>>
      tpu.wait_indirect_dma semaphore(%arg9 : memref<!tpu.dma_semaphore, #tpu.memory_space<semaphore_mem>>) src(%dma_wait3A_277 : memref<2600000xf32, #tpu.memory_space<hbm>>) dst(%dma_wait3A_273 : memref<128xf32, #tpu.memory_space<vmem>>)
      %dma_wait3A_278 = arith.constant 1536 : i32
      %dma_wait3A_279 = tpu.memref_slice %arg8[%dma_wait3A_278] : memref<4096xf32, #tpu.memory_space<vmem>> -> memref<128xf32, #tpu.memory_space<vmem>>
      %dma_wait3A_280 = arith.constant 1536 : i32
      %dma_wait3A_281 = tpu.memref_slice %arg7[%dma_wait3A_280] : memref<4096xi32, #tpu.memory_space<vmem>> -> memref<128xi32, #tpu.memory_space<vmem>>
      %dma_wait3A_282 = arith.constant 0 : i32
      %dma_wait3A_283 = tpu.memref_slice %arg3[%dma_wait3A_282] : memref<2600000xf32, #tpu.memory_space<hbm>> -> memref<2600000xf32, #tpu.memory_space<hbm>>
      tpu.wait_indirect_dma semaphore(%arg9 : memref<!tpu.dma_semaphore, #tpu.memory_space<semaphore_mem>>) src(%dma_wait3A_283 : memref<2600000xf32, #tpu.memory_space<hbm>>) dst(%dma_wait3A_279 : memref<128xf32, #tpu.memory_space<vmem>>)
      %dma_wait3A_284 = arith.constant 1664 : i32
      %dma_wait3A_285 = tpu.memref_slice %arg8[%dma_wait3A_284] : memref<4096xf32, #tpu.memory_space<vmem>> -> memref<128xf32, #tpu.memory_space<vmem>>
      %dma_wait3A_286 = arith.constant 1664 : i32
      %dma_wait3A_287 = tpu.memref_slice %arg7[%dma_wait3A_286] : memref<4096xi32, #tpu.memory_space<vmem>> -> memref<128xi32, #tpu.memory_space<vmem>>
      %dma_wait3A_288 = arith.constant 0 : i32
      %dma_wait3A_289 = tpu.memref_slice %arg3[%dma_wait3A_288] : memref<2600000xf32, #tpu.memory_space<hbm>> -> memref<2600000xf32, #tpu.memory_space<hbm>>
      tpu.wait_indirect_dma semaphore(%arg9 : memref<!tpu.dma_semaphore, #tpu.memory_space<semaphore_mem>>) src(%dma_wait3A_289 : memref<2600000xf32, #tpu.memory_space<hbm>>) dst(%dma_wait3A_285 : memref<128xf32, #tpu.memory_space<vmem>>)
      %dma_wait3A_290 = arith.constant 1792 : i32
      %dma_wait3A_291 = tpu.memref_slice %arg8[%dma_wait3A_290] : memref<4096xf32, #tpu.memory_space<vmem>> -> memref<128xf32, #tpu.memory_space<vmem>>
      %dma_wait3A_292 = arith.constant 1792 : i32
      %dma_wait3A_293 = tpu.memref_slice %arg7[%dma_wait3A_292] : memref<4096xi32, #tpu.memory_space<vmem>> -> memref<128xi32, #tpu.memory_space<vmem>>
      %dma_wait3A_294 = arith.constant 0 : i32
      %dma_wait3A_295 = tpu.memref_slice %arg3[%dma_wait3A_294] : memref<2600000xf32, #tpu.memory_space<hbm>> -> memref<2600000xf32, #tpu.memory_space<hbm>>
      tpu.wait_indirect_dma semaphore(%arg9 : memref<!tpu.dma_semaphore, #tpu.memory_space<semaphore_mem>>) src(%dma_wait3A_295 : memref<2600000xf32, #tpu.memory_space<hbm>>) dst(%dma_wait3A_291 : memref<128xf32, #tpu.memory_space<vmem>>)
      %dma_wait3A_296 = arith.constant 1920 : i32
      %dma_wait3A_297 = tpu.memref_slice %arg8[%dma_wait3A_296] : memref<4096xf32, #tpu.memory_space<vmem>> -> memref<128xf32, #tpu.memory_space<vmem>>
      %dma_wait3A_298 = arith.constant 1920 : i32
      %dma_wait3A_299 = tpu.memref_slice %arg7[%dma_wait3A_298] : memref<4096xi32, #tpu.memory_space<vmem>> -> memref<128xi32, #tpu.memory_space<vmem>>
      %dma_wait3A_300 = arith.constant 0 : i32
      %dma_wait3A_301 = tpu.memref_slice %arg3[%dma_wait3A_300] : memref<2600000xf32, #tpu.memory_space<hbm>> -> memref<2600000xf32, #tpu.memory_space<hbm>>
      tpu.wait_indirect_dma semaphore(%arg9 : memref<!tpu.dma_semaphore, #tpu.memory_space<semaphore_mem>>) src(%dma_wait3A_301 : memref<2600000xf32, #tpu.memory_space<hbm>>) dst(%dma_wait3A_297 : memref<128xf32, #tpu.memory_space<vmem>>)
      %dma_wait3A_302 = arith.constant 2048 : i32
      %dma_wait3A_303 = tpu.memref_slice %arg8[%dma_wait3A_302] : memref<4096xf32, #tpu.memory_space<vmem>> -> memref<128xf32, #tpu.memory_space<vmem>>
      %dma_wait3A_304 = arith.constant 2048 : i32
      %dma_wait3A_305 = tpu.memref_slice %arg7[%dma_wait3A_304] : memref<4096xi32, #tpu.memory_space<vmem>> -> memref<128xi32, #tpu.memory_space<vmem>>
      %dma_wait3A_306 = arith.constant 0 : i32
      %dma_wait3A_307 = tpu.memref_slice %arg3[%dma_wait3A_306] : memref<2600000xf32, #tpu.memory_space<hbm>> -> memref<2600000xf32, #tpu.memory_space<hbm>>
      tpu.wait_indirect_dma semaphore(%arg9 : memref<!tpu.dma_semaphore, #tpu.memory_space<semaphore_mem>>) src(%dma_wait3A_307 : memref<2600000xf32, #tpu.memory_space<hbm>>) dst(%dma_wait3A_303 : memref<128xf32, #tpu.memory_space<vmem>>)
      %dma_wait3A_308 = arith.constant 2176 : i32
      %dma_wait3A_309 = tpu.memref_slice %arg8[%dma_wait3A_308] : memref<4096xf32, #tpu.memory_space<vmem>> -> memref<128xf32, #tpu.memory_space<vmem>>
      %dma_wait3A_310 = arith.constant 2176 : i32
      %dma_wait3A_311 = tpu.memref_slice %arg7[%dma_wait3A_310] : memref<4096xi32, #tpu.memory_space<vmem>> -> memref<128xi32, #tpu.memory_space<vmem>>
      %dma_wait3A_312 = arith.constant 0 : i32
      %dma_wait3A_313 = tpu.memref_slice %arg3[%dma_wait3A_312] : memref<2600000xf32, #tpu.memory_space<hbm>> -> memref<2600000xf32, #tpu.memory_space<hbm>>
      tpu.wait_indirect_dma semaphore(%arg9 : memref<!tpu.dma_semaphore, #tpu.memory_space<semaphore_mem>>) src(%dma_wait3A_313 : memref<2600000xf32, #tpu.memory_space<hbm>>) dst(%dma_wait3A_309 : memref<128xf32, #tpu.memory_space<vmem>>)
      %dma_wait3A_314 = arith.constant 2304 : i32
      %dma_wait3A_315 = tpu.memref_slice %arg8[%dma_wait3A_314] : memref<4096xf32, #tpu.memory_space<vmem>> -> memref<128xf32, #tpu.memory_space<vmem>>
      %dma_wait3A_316 = arith.constant 2304 : i32
      %dma_wait3A_317 = tpu.memref_slice %arg7[%dma_wait3A_316] : memref<4096xi32, #tpu.memory_space<vmem>> -> memref<128xi32, #tpu.memory_space<vmem>>
      %dma_wait3A_318 = arith.constant 0 : i32
      %dma_wait3A_319 = tpu.memref_slice %arg3[%dma_wait3A_318] : memref<2600000xf32, #tpu.memory_space<hbm>> -> memref<2600000xf32, #tpu.memory_space<hbm>>
      tpu.wait_indirect_dma semaphore(%arg9 : memref<!tpu.dma_semaphore, #tpu.memory_space<semaphore_mem>>) src(%dma_wait3A_319 : memref<2600000xf32, #tpu.memory_space<hbm>>) dst(%dma_wait3A_315 : memref<128xf32, #tpu.memory_space<vmem>>)
      %dma_wait3A_320 = arith.constant 2432 : i32
      %dma_wait3A_321 = tpu.memref_slice %arg8[%dma_wait3A_320] : memref<4096xf32, #tpu.memory_space<vmem>> -> memref<128xf32, #tpu.memory_space<vmem>>
      %dma_wait3A_322 = arith.constant 2432 : i32
      %dma_wait3A_323 = tpu.memref_slice %arg7[%dma_wait3A_322] : memref<4096xi32, #tpu.memory_space<vmem>> -> memref<128xi32, #tpu.memory_space<vmem>>
      %dma_wait3A_324 = arith.constant 0 : i32
      %dma_wait3A_325 = tpu.memref_slice %arg3[%dma_wait3A_324] : memref<2600000xf32, #tpu.memory_space<hbm>> -> memref<2600000xf32, #tpu.memory_space<hbm>>
      tpu.wait_indirect_dma semaphore(%arg9 : memref<!tpu.dma_semaphore, #tpu.memory_space<semaphore_mem>>) src(%dma_wait3A_325 : memref<2600000xf32, #tpu.memory_space<hbm>>) dst(%dma_wait3A_321 : memref<128xf32, #tpu.memory_space<vmem>>)
      %dma_wait3A_326 = arith.constant 2560 : i32
      %dma_wait3A_327 = tpu.memref_slice %arg8[%dma_wait3A_326] : memref<4096xf32, #tpu.memory_space<vmem>> -> memref<128xf32, #tpu.memory_space<vmem>>
      %dma_wait3A_328 = arith.constant 2560 : i32
      %dma_wait3A_329 = tpu.memref_slice %arg7[%dma_wait3A_328] : memref<4096xi32, #tpu.memory_space<vmem>> -> memref<128xi32, #tpu.memory_space<vmem>>
      %dma_wait3A_330 = arith.constant 0 : i32
      %dma_wait3A_331 = tpu.memref_slice %arg3[%dma_wait3A_330] : memref<2600000xf32, #tpu.memory_space<hbm>> -> memref<2600000xf32, #tpu.memory_space<hbm>>
      tpu.wait_indirect_dma semaphore(%arg9 : memref<!tpu.dma_semaphore, #tpu.memory_space<semaphore_mem>>) src(%dma_wait3A_331 : memref<2600000xf32, #tpu.memory_space<hbm>>) dst(%dma_wait3A_327 : memref<128xf32, #tpu.memory_space<vmem>>)
      %dma_wait3A_332 = arith.constant 2688 : i32
      %dma_wait3A_333 = tpu.memref_slice %arg8[%dma_wait3A_332] : memref<4096xf32, #tpu.memory_space<vmem>> -> memref<128xf32, #tpu.memory_space<vmem>>
      %dma_wait3A_334 = arith.constant 2688 : i32
      %dma_wait3A_335 = tpu.memref_slice %arg7[%dma_wait3A_334] : memref<4096xi32, #tpu.memory_space<vmem>> -> memref<128xi32, #tpu.memory_space<vmem>>
      %dma_wait3A_336 = arith.constant 0 : i32
      %dma_wait3A_337 = tpu.memref_slice %arg3[%dma_wait3A_336] : memref<2600000xf32, #tpu.memory_space<hbm>> -> memref<2600000xf32, #tpu.memory_space<hbm>>
      tpu.wait_indirect_dma semaphore(%arg9 : memref<!tpu.dma_semaphore, #tpu.memory_space<semaphore_mem>>) src(%dma_wait3A_337 : memref<2600000xf32, #tpu.memory_space<hbm>>) dst(%dma_wait3A_333 : memref<128xf32, #tpu.memory_space<vmem>>)
      %dma_wait3A_338 = arith.constant 2816 : i32
      %dma_wait3A_339 = tpu.memref_slice %arg8[%dma_wait3A_338] : memref<4096xf32, #tpu.memory_space<vmem>> -> memref<128xf32, #tpu.memory_space<vmem>>
      %dma_wait3A_340 = arith.constant 2816 : i32
      %dma_wait3A_341 = tpu.memref_slice %arg7[%dma_wait3A_340] : memref<4096xi32, #tpu.memory_space<vmem>> -> memref<128xi32, #tpu.memory_space<vmem>>
      %dma_wait3A_342 = arith.constant 0 : i32
      %dma_wait3A_343 = tpu.memref_slice %arg3[%dma_wait3A_342] : memref<2600000xf32, #tpu.memory_space<hbm>> -> memref<2600000xf32, #tpu.memory_space<hbm>>
      tpu.wait_indirect_dma semaphore(%arg9 : memref<!tpu.dma_semaphore, #tpu.memory_space<semaphore_mem>>) src(%dma_wait3A_343 : memref<2600000xf32, #tpu.memory_space<hbm>>) dst(%dma_wait3A_339 : memref<128xf32, #tpu.memory_space<vmem>>)
      %dma_wait3A_344 = arith.constant 2944 : i32
      %dma_wait3A_345 = tpu.memref_slice %arg8[%dma_wait3A_344] : memref<4096xf32, #tpu.memory_space<vmem>> -> memref<128xf32, #tpu.memory_space<vmem>>
      %dma_wait3A_346 = arith.constant 2944 : i32
      %dma_wait3A_347 = tpu.memref_slice %arg7[%dma_wait3A_346] : memref<4096xi32, #tpu.memory_space<vmem>> -> memref<128xi32, #tpu.memory_space<vmem>>
      %dma_wait3A_348 = arith.constant 0 : i32
      %dma_wait3A_349 = tpu.memref_slice %arg3[%dma_wait3A_348] : memref<2600000xf32, #tpu.memory_space<hbm>> -> memref<2600000xf32, #tpu.memory_space<hbm>>
      tpu.wait_indirect_dma semaphore(%arg9 : memref<!tpu.dma_semaphore, #tpu.memory_space<semaphore_mem>>) src(%dma_wait3A_349 : memref<2600000xf32, #tpu.memory_space<hbm>>) dst(%dma_wait3A_345 : memref<128xf32, #tpu.memory_space<vmem>>)
      %dma_wait3A_350 = arith.constant 3072 : i32
      %dma_wait3A_351 = tpu.memref_slice %arg8[%dma_wait3A_350] : memref<4096xf32, #tpu.memory_space<vmem>> -> memref<128xf32, #tpu.memory_space<vmem>>
      %dma_wait3A_352 = arith.constant 3072 : i32
      %dma_wait3A_353 = tpu.memref_slice %arg7[%dma_wait3A_352] : memref<4096xi32, #tpu.memory_space<vmem>> -> memref<128xi32, #tpu.memory_space<vmem>>
      %dma_wait3A_354 = arith.constant 0 : i32
      %dma_wait3A_355 = tpu.memref_slice %arg3[%dma_wait3A_354] : memref<2600000xf32, #tpu.memory_space<hbm>> -> memref<2600000xf32, #tpu.memory_space<hbm>>
      tpu.wait_indirect_dma semaphore(%arg9 : memref<!tpu.dma_semaphore, #tpu.memory_space<semaphore_mem>>) src(%dma_wait3A_355 : memref<2600000xf32, #tpu.memory_space<hbm>>) dst(%dma_wait3A_351 : memref<128xf32, #tpu.memory_space<vmem>>)
      %dma_wait3A_356 = arith.constant 3200 : i32
      %dma_wait3A_357 = tpu.memref_slice %arg8[%dma_wait3A_356] : memref<4096xf32, #tpu.memory_space<vmem>> -> memref<128xf32, #tpu.memory_space<vmem>>
      %dma_wait3A_358 = arith.constant 3200 : i32
      %dma_wait3A_359 = tpu.memref_slice %arg7[%dma_wait3A_358] : memref<4096xi32, #tpu.memory_space<vmem>> -> memref<128xi32, #tpu.memory_space<vmem>>
      %dma_wait3A_360 = arith.constant 0 : i32
      %dma_wait3A_361 = tpu.memref_slice %arg3[%dma_wait3A_360] : memref<2600000xf32, #tpu.memory_space<hbm>> -> memref<2600000xf32, #tpu.memory_space<hbm>>
      tpu.wait_indirect_dma semaphore(%arg9 : memref<!tpu.dma_semaphore, #tpu.memory_space<semaphore_mem>>) src(%dma_wait3A_361 : memref<2600000xf32, #tpu.memory_space<hbm>>) dst(%dma_wait3A_357 : memref<128xf32, #tpu.memory_space<vmem>>)
      %dma_wait3A_362 = arith.constant 3328 : i32
      %dma_wait3A_363 = tpu.memref_slice %arg8[%dma_wait3A_362] : memref<4096xf32, #tpu.memory_space<vmem>> -> memref<128xf32, #tpu.memory_space<vmem>>
      %dma_wait3A_364 = arith.constant 3328 : i32
      %dma_wait3A_365 = tpu.memref_slice %arg7[%dma_wait3A_364] : memref<4096xi32, #tpu.memory_space<vmem>> -> memref<128xi32, #tpu.memory_space<vmem>>
      %dma_wait3A_366 = arith.constant 0 : i32
      %dma_wait3A_367 = tpu.memref_slice %arg3[%dma_wait3A_366] : memref<2600000xf32, #tpu.memory_space<hbm>> -> memref<2600000xf32, #tpu.memory_space<hbm>>
      tpu.wait_indirect_dma semaphore(%arg9 : memref<!tpu.dma_semaphore, #tpu.memory_space<semaphore_mem>>) src(%dma_wait3A_367 : memref<2600000xf32, #tpu.memory_space<hbm>>) dst(%dma_wait3A_363 : memref<128xf32, #tpu.memory_space<vmem>>)
      %dma_wait3A_368 = arith.constant 3456 : i32
      %dma_wait3A_369 = tpu.memref_slice %arg8[%dma_wait3A_368] : memref<4096xf32, #tpu.memory_space<vmem>> -> memref<128xf32, #tpu.memory_space<vmem>>
      %dma_wait3A_370 = arith.constant 3456 : i32
      %dma_wait3A_371 = tpu.memref_slice %arg7[%dma_wait3A_370] : memref<4096xi32, #tpu.memory_space<vmem>> -> memref<128xi32, #tpu.memory_space<vmem>>
      %dma_wait3A_372 = arith.constant 0 : i32
      %dma_wait3A_373 = tpu.memref_slice %arg3[%dma_wait3A_372] : memref<2600000xf32, #tpu.memory_space<hbm>> -> memref<2600000xf32, #tpu.memory_space<hbm>>
      tpu.wait_indirect_dma semaphore(%arg9 : memref<!tpu.dma_semaphore, #tpu.memory_space<semaphore_mem>>) src(%dma_wait3A_373 : memref<2600000xf32, #tpu.memory_space<hbm>>) dst(%dma_wait3A_369 : memref<128xf32, #tpu.memory_space<vmem>>)
      %dma_wait3A_374 = arith.constant 3584 : i32
      %dma_wait3A_375 = tpu.memref_slice %arg8[%dma_wait3A_374] : memref<4096xf32, #tpu.memory_space<vmem>> -> memref<128xf32, #tpu.memory_space<vmem>>
      %dma_wait3A_376 = arith.constant 3584 : i32
      %dma_wait3A_377 = tpu.memref_slice %arg7[%dma_wait3A_376] : memref<4096xi32, #tpu.memory_space<vmem>> -> memref<128xi32, #tpu.memory_space<vmem>>
      %dma_wait3A_378 = arith.constant 0 : i32
      %dma_wait3A_379 = tpu.memref_slice %arg3[%dma_wait3A_378] : memref<2600000xf32, #tpu.memory_space<hbm>> -> memref<2600000xf32, #tpu.memory_space<hbm>>
      tpu.wait_indirect_dma semaphore(%arg9 : memref<!tpu.dma_semaphore, #tpu.memory_space<semaphore_mem>>) src(%dma_wait3A_379 : memref<2600000xf32, #tpu.memory_space<hbm>>) dst(%dma_wait3A_375 : memref<128xf32, #tpu.memory_space<vmem>>)
      %dma_wait3A_380 = arith.constant 3712 : i32
      %dma_wait3A_381 = tpu.memref_slice %arg8[%dma_wait3A_380] : memref<4096xf32, #tpu.memory_space<vmem>> -> memref<128xf32, #tpu.memory_space<vmem>>
      %dma_wait3A_382 = arith.constant 3712 : i32
      %dma_wait3A_383 = tpu.memref_slice %arg7[%dma_wait3A_382] : memref<4096xi32, #tpu.memory_space<vmem>> -> memref<128xi32, #tpu.memory_space<vmem>>
      %dma_wait3A_384 = arith.constant 0 : i32
      %dma_wait3A_385 = tpu.memref_slice %arg3[%dma_wait3A_384] : memref<2600000xf32, #tpu.memory_space<hbm>> -> memref<2600000xf32, #tpu.memory_space<hbm>>
      tpu.wait_indirect_dma semaphore(%arg9 : memref<!tpu.dma_semaphore, #tpu.memory_space<semaphore_mem>>) src(%dma_wait3A_385 : memref<2600000xf32, #tpu.memory_space<hbm>>) dst(%dma_wait3A_381 : memref<128xf32, #tpu.memory_space<vmem>>)
      %dma_wait3A_386 = arith.constant 3840 : i32
      %dma_wait3A_387 = tpu.memref_slice %arg8[%dma_wait3A_386] : memref<4096xf32, #tpu.memory_space<vmem>> -> memref<128xf32, #tpu.memory_space<vmem>>
      %dma_wait3A_388 = arith.constant 3840 : i32
      %dma_wait3A_389 = tpu.memref_slice %arg7[%dma_wait3A_388] : memref<4096xi32, #tpu.memory_space<vmem>> -> memref<128xi32, #tpu.memory_space<vmem>>
      %dma_wait3A_390 = arith.constant 0 : i32
      %dma_wait3A_391 = tpu.memref_slice %arg3[%dma_wait3A_390] : memref<2600000xf32, #tpu.memory_space<hbm>> -> memref<2600000xf32, #tpu.memory_space<hbm>>
      tpu.wait_indirect_dma semaphore(%arg9 : memref<!tpu.dma_semaphore, #tpu.memory_space<semaphore_mem>>) src(%dma_wait3A_391 : memref<2600000xf32, #tpu.memory_space<hbm>>) dst(%dma_wait3A_387 : memref<128xf32, #tpu.memory_space<vmem>>)
      %dma_wait3A_392 = arith.constant 3968 : i32
      %dma_wait3A_393 = tpu.memref_slice %arg8[%dma_wait3A_392] : memref<4096xf32, #tpu.memory_space<vmem>> -> memref<128xf32, #tpu.memory_space<vmem>>
      %dma_wait3A_394 = arith.constant 3968 : i32
      %dma_wait3A_395 = tpu.memref_slice %arg7[%dma_wait3A_394] : memref<4096xi32, #tpu.memory_space<vmem>> -> memref<128xi32, #tpu.memory_space<vmem>>
      %dma_wait3A_396 = arith.constant 0 : i32
      %dma_wait3A_397 = tpu.memref_slice %arg3[%dma_wait3A_396] : memref<2600000xf32, #tpu.memory_space<hbm>> -> memref<2600000xf32, #tpu.memory_space<hbm>>
      tpu.wait_indirect_dma semaphore(%arg9 : memref<!tpu.dma_semaphore, #tpu.memory_space<semaphore_mem>>) src(%dma_wait3A_397 : memref<2600000xf32, #tpu.memory_space<hbm>>) dst(%dma_wait3A_393 : memref<128xf32, #tpu.memory_space<vmem>>)
      "tpu.region"() ({
        %run_scoped3A = tpu.sem_alloc : memref<!tpu.dma_semaphore, #tpu.memory_space<semaphore_mem>>
        %dma_start3A_398 = arith.constant 0 : i32
        %dma_start3A_399 = tpu.memref_slice %arg6[%add3A, %dma_start3A_398] : memref<26x4096xf32, #tpu.memory_space<hbm>> -> memref<1x4096xf32, #tpu.memory_space<hbm>>
        %dma_start3A_400 = tpu.memref_squeeze %dma_start3A_399 : memref<1x4096xf32, #tpu.memory_space<hbm>> -> memref<4096xf32, #tpu.memory_space<hbm>>
        %dma_start3A_401 = arith.constant 0 : i32
        %dma_start3A_402 = tpu.memref_slice %arg6[%add3A, %dma_start3A_401] : memref<26x4096xf32, #tpu.memory_space<hbm>> -> memref<1x4096xf32, #tpu.memory_space<hbm>>
        %dma_start3A_403 = tpu.memref_squeeze %dma_start3A_402 : memref<1x4096xf32, #tpu.memory_space<hbm>> -> memref<4096xf32, #tpu.memory_space<hbm>>
        tpu.enqueue_dma source(%arg8 : memref<4096xf32, #tpu.memory_space<vmem>>) target(%dma_start3A_403 : memref<4096xf32, #tpu.memory_space<hbm>>) target_semaphore(%run_scoped3A : memref<!tpu.dma_semaphore, #tpu.memory_space<semaphore_mem>>)
        %dma_wait3A_404 = arith.constant 0 : i32
        %dma_wait3A_405 = tpu.memref_slice %arg6[%add3A, %dma_wait3A_404] : memref<26x4096xf32, #tpu.memory_space<hbm>> -> memref<1x4096xf32, #tpu.memory_space<hbm>>
        %dma_wait3A_406 = tpu.memref_squeeze %dma_wait3A_405 : memref<1x4096xf32, #tpu.memory_space<hbm>> -> memref<4096xf32, #tpu.memory_space<hbm>>
        %dma_wait3A_407 = arith.constant 0 : i32
        %dma_wait3A_408 = tpu.memref_slice %arg6[%add3A, %dma_wait3A_407] : memref<26x4096xf32, #tpu.memory_space<hbm>> -> memref<1x4096xf32, #tpu.memory_space<hbm>>
        %dma_wait3A_409 = tpu.memref_squeeze %dma_wait3A_408 : memref<1x4096xf32, #tpu.memory_space<hbm>> -> memref<4096xf32, #tpu.memory_space<hbm>>
        tpu.wait_dma2 semaphore(%run_scoped3A : memref<!tpu.dma_semaphore, #tpu.memory_space<semaphore_mem>>) src(%arg8 : memref<4096xf32, #tpu.memory_space<vmem>>) dst(%dma_wait3A_409 : memref<4096xf32, #tpu.memory_space<hbm>>)
        tpu.yield
      }) : () -> ()
    } else {
    }
    %scan3A = arith.constant 0 : i32
    %scan3A_3 = arith.constant 0 : i32
    %scan3A_4 = arith.constant 26 : i32
    %scan3A_5 = arith.addi %scan3A_3, %scan3A_4 : i32
    %scan3A_6 = arith.constant 1 : i32
    scf.for %scan3A_8 = %scan3A_3 to %scan3A_5 step %scan3A_6  : i32 {
      %mul3A_9 = arith.constant 32 : i32
      %mul3A_10 = arith.muli %scan3A_8, %mul3A_9 : i32
      %add3A_11 = arith.addi %add3A, %mul3A_10 : i32
      %jit3A = arith.constant 32 : i32
      %div3A = arith.divsi %add3A_11, %jit3A : i32
      %sign3A = arith.constant 0 : i32
      %sign3A_12 = arith.cmpi sgt, %add3A_11, %sign3A : i32
      %sign3A_13 = arith.extui %sign3A_12 : i1 to i32
      %sign3A_14 = arith.constant 0 : i32
      %sign3A_15 = arith.cmpi slt, %add3A_11, %sign3A_14 : i32
      %sign3A_16 = arith.extui %sign3A_15 : i1 to i32
      %sign3A_17 = arith.subi %sign3A_13, %sign3A_16 : i32
      %sign3A_18 = arith.constant 0 : i32
      %sign3A_19 = arith.cmpi sgt, %jit3A, %sign3A_18 : i32
      %sign3A_20 = arith.extui %sign3A_19 : i1 to i32
      %sign3A_21 = arith.constant 0 : i32
      %sign3A_22 = arith.cmpi slt, %jit3A, %sign3A_21 : i32
      %sign3A_23 = arith.extui %sign3A_22 : i1 to i32
      %sign3A_24 = arith.subi %sign3A_20, %sign3A_23 : i32
      %ne3A = arith.cmpi ne, %sign3A_17, %sign3A_24 : i32
      %rem3A = arith.remsi %add3A_11, %jit3A : i32
      %ne3A_25 = arith.constant 0 : i32
      %ne3A_26 = arith.cmpi ne, %rem3A, %ne3A_25 : i32
      %and3A = arith.andi %ne3A, %ne3A_26 : i1
      %sub3A = arith.constant 1 : i32
      %sub3A_27 = arith.subi %div3A, %sub3A : i32
      %select_n3A = arith.select %and3A, %sub3A_27, %div3A : i32
      "tpu.region"() ({
        %run_scoped3A = tpu.sem_alloc : memref<!tpu.dma_semaphore, #tpu.memory_space<semaphore_mem>>
        %dma_start3A_418 = arith.constant 0 : i32
        %dma_start3A_419 = tpu.memref_slice %arg4[%select_n3A, %dma_start3A_418] : memref<26x4096xi32, #tpu.memory_space<hbm>> -> memref<1x4096xi32, #tpu.memory_space<hbm>>
        %dma_start3A_420 = tpu.memref_squeeze %dma_start3A_419 : memref<1x4096xi32, #tpu.memory_space<hbm>> -> memref<4096xi32, #tpu.memory_space<hbm>>
        %dma_start3A_421 = arith.constant 0 : i32
        %dma_start3A_422 = tpu.memref_slice %arg4[%select_n3A, %dma_start3A_421] : memref<26x4096xi32, #tpu.memory_space<hbm>> -> memref<1x4096xi32, #tpu.memory_space<hbm>>
        %dma_start3A_423 = tpu.memref_squeeze %dma_start3A_422 : memref<1x4096xi32, #tpu.memory_space<hbm>> -> memref<4096xi32, #tpu.memory_space<hbm>>
        tpu.enqueue_dma source(%dma_start3A_423 : memref<4096xi32, #tpu.memory_space<hbm>>) target(%arg7 : memref<4096xi32, #tpu.memory_space<vmem>>) target_semaphore(%run_scoped3A : memref<!tpu.dma_semaphore, #tpu.memory_space<semaphore_mem>>)
        %dma_wait3A_424 = arith.constant 0 : i32
        %dma_wait3A_425 = tpu.memref_slice %arg4[%select_n3A, %dma_wait3A_424] : memref<26x4096xi32, #tpu.memory_space<hbm>> -> memref<1x4096xi32, #tpu.memory_space<hbm>>
        %dma_wait3A_426 = tpu.memref_squeeze %dma_wait3A_425 : memref<1x4096xi32, #tpu.memory_space<hbm>> -> memref<4096xi32, #tpu.memory_space<hbm>>
        %dma_wait3A_427 = arith.constant 0 : i32
        %dma_wait3A_428 = tpu.memref_slice %arg4[%select_n3A, %dma_wait3A_427] : memref<26x4096xi32, #tpu.memory_space<hbm>> -> memref<1x4096xi32, #tpu.memory_space<hbm>>
        %dma_wait3A_429 = tpu.memref_squeeze %dma_wait3A_428 : memref<1x4096xi32, #tpu.memory_space<hbm>> -> memref<4096xi32, #tpu.memory_space<hbm>>
        tpu.wait_dma2 semaphore(%run_scoped3A : memref<!tpu.dma_semaphore, #tpu.memory_space<semaphore_mem>>) src(%dma_wait3A_429 : memref<4096xi32, #tpu.memory_space<hbm>>) dst(%arg7 : memref<4096xi32, #tpu.memory_space<vmem>>)
        tpu.yield
      }) : () -> ()
      %mul3A_28 = arith.constant 100000 : i32
      %mul3A_29 = arith.muli %add3A_11, %mul3A_28 : i32
      %scan3A_30 = arith.constant 0 : i32
      %scan3A_31 = arith.constant 0 : i32
      %scan3A_32 = arith.constant 256 : i32
      %scan3A_33 = arith.addi %scan3A_31, %scan3A_32 : i32
      %scan3A_34 = arith.constant 1 : i32
      scf.for %scan3A_418 = %scan3A_31 to %scan3A_33 step %scan3A_34  : i32 {
        %mul3A_419 = arith.constant 16 : i32
        %mul3A_420 = arith.muli %scan3A_418, %mul3A_419 : i32
        %multiple_of3A = tpu.assume_multiple %mul3A_420, 16 : i32
        %get3A = arith.index_cast %multiple_of3A : i32 to index
        %get3A_421 = tpu.vector_load %arg7[%get3A] {strides = array<i32>} : memref<4096xi32, #tpu.memory_space<vmem>>, vector<16xi32>,
        %get3A_422 = vector.shape_cast %get3A_421 : vector<16xi32> to vector<16xi32>
        %add3A_423 = vector.broadcast %mul3A_29 : i32 to vector<16xi32>
        %add3A_424 = arith.addi %get3A_422, %add3A_423 : vector<16xi32>
        %swap3A = arith.index_cast %multiple_of3A : i32 to index
        %swap3A_425 = tpu.vector_load %arg7[%swap3A] {strides = array<i32>} : memref<4096xi32, #tpu.memory_space<vmem>>, vector<16xi32>,
        %swap3A_426 = vector.shape_cast %swap3A_425 : vector<16xi32> to vector<16xi32>
        %swap3A_427 = vector.shape_cast %add3A_424 : vector<16xi32> to vector<16xi32>
        tpu.vector_store %arg7[%swap3A], %swap3A_427 {strides = array<i32>} : memref<4096xi32, #tpu.memory_space<vmem>>, vector<16xi32>,
      }
      %scan3A_35 = arith.constant 256 : i32
      %dma_start3A = arith.constant 0 : i32
      %dma_start3A_36 = tpu.memref_slice %arg8[%dma_start3A] : memref<4096xf32, #tpu.memory_space<vmem>> -> memref<128xf32, #tpu.memory_space<vmem>>
      %dma_start3A_37 = arith.constant 0 : i32
      %dma_start3A_38 = tpu.memref_slice %arg7[%dma_start3A_37] : memref<4096xi32, #tpu.memory_space<vmem>> -> memref<128xi32, #tpu.memory_space<vmem>>
      %dma_start3A_39 = arith.constant 0 : i32
      %dma_start3A_40 = tpu.memref_slice %arg2[%dma_start3A_39] : memref<83200000xf32, #tpu.memory_space<hbm>> -> memref<83200000xf32, #tpu.memory_space<hbm>>
      tpu.enqueue_indirect_dma source(%dma_start3A_40 : memref<83200000xf32, #tpu.memory_space<hbm>>) target(%dma_start3A_36 : memref<128xf32, #tpu.memory_space<vmem>>) offsets(%dma_start3A_38 : memref<128xi32, #tpu.memory_space<vmem>>) semaphore(%arg9 : memref<!tpu.dma_semaphore, #tpu.memory_space<semaphore_mem>>)
      %dma_start3A_41 = arith.constant 128 : i32
      %dma_start3A_42 = tpu.memref_slice %arg8[%dma_start3A_41] : memref<4096xf32, #tpu.memory_space<vmem>> -> memref<128xf32, #tpu.memory_space<vmem>>
      %dma_start3A_43 = arith.constant 128 : i32
      %dma_start3A_44 = tpu.memref_slice %arg7[%dma_start3A_43] : memref<4096xi32, #tpu.memory_space<vmem>> -> memref<128xi32, #tpu.memory_space<vmem>>
      %dma_start3A_45 = arith.constant 0 : i32
      %dma_start3A_46 = tpu.memref_slice %arg2[%dma_start3A_45] : memref<83200000xf32, #tpu.memory_space<hbm>> -> memref<83200000xf32, #tpu.memory_space<hbm>>
      tpu.enqueue_indirect_dma source(%dma_start3A_46 : memref<83200000xf32, #tpu.memory_space<hbm>>) target(%dma_start3A_42 : memref<128xf32, #tpu.memory_space<vmem>>) offsets(%dma_start3A_44 : memref<128xi32, #tpu.memory_space<vmem>>) semaphore(%arg9 : memref<!tpu.dma_semaphore, #tpu.memory_space<semaphore_mem>>)
      %dma_start3A_47 = arith.constant 256 : i32
      %dma_start3A_48 = tpu.memref_slice %arg8[%dma_start3A_47] : memref<4096xf32, #tpu.memory_space<vmem>> -> memref<128xf32, #tpu.memory_space<vmem>>
      %dma_start3A_49 = arith.constant 256 : i32
      %dma_start3A_50 = tpu.memref_slice %arg7[%dma_start3A_49] : memref<4096xi32, #tpu.memory_space<vmem>> -> memref<128xi32, #tpu.memory_space<vmem>>
      %dma_start3A_51 = arith.constant 0 : i32
      %dma_start3A_52 = tpu.memref_slice %arg2[%dma_start3A_51] : memref<83200000xf32, #tpu.memory_space<hbm>> -> memref<83200000xf32, #tpu.memory_space<hbm>>
      tpu.enqueue_indirect_dma source(%dma_start3A_52 : memref<83200000xf32, #tpu.memory_space<hbm>>) target(%dma_start3A_48 : memref<128xf32, #tpu.memory_space<vmem>>) offsets(%dma_start3A_50 : memref<128xi32, #tpu.memory_space<vmem>>) semaphore(%arg9 : memref<!tpu.dma_semaphore, #tpu.memory_space<semaphore_mem>>)
      %dma_start3A_53 = arith.constant 384 : i32
      %dma_start3A_54 = tpu.memref_slice %arg8[%dma_start3A_53] : memref<4096xf32, #tpu.memory_space<vmem>> -> memref<128xf32, #tpu.memory_space<vmem>>
      %dma_start3A_55 = arith.constant 384 : i32
      %dma_start3A_56 = tpu.memref_slice %arg7[%dma_start3A_55] : memref<4096xi32, #tpu.memory_space<vmem>> -> memref<128xi32, #tpu.memory_space<vmem>>
      %dma_start3A_57 = arith.constant 0 : i32
      %dma_start3A_58 = tpu.memref_slice %arg2[%dma_start3A_57] : memref<83200000xf32, #tpu.memory_space<hbm>> -> memref<83200000xf32, #tpu.memory_space<hbm>>
      tpu.enqueue_indirect_dma source(%dma_start3A_58 : memref<83200000xf32, #tpu.memory_space<hbm>>) target(%dma_start3A_54 : memref<128xf32, #tpu.memory_space<vmem>>) offsets(%dma_start3A_56 : memref<128xi32, #tpu.memory_space<vmem>>) semaphore(%arg9 : memref<!tpu.dma_semaphore, #tpu.memory_space<semaphore_mem>>)
      %dma_start3A_59 = arith.constant 512 : i32
      %dma_start3A_60 = tpu.memref_slice %arg8[%dma_start3A_59] : memref<4096xf32, #tpu.memory_space<vmem>> -> memref<128xf32, #tpu.memory_space<vmem>>
      %dma_start3A_61 = arith.constant 512 : i32
      %dma_start3A_62 = tpu.memref_slice %arg7[%dma_start3A_61] : memref<4096xi32, #tpu.memory_space<vmem>> -> memref<128xi32, #tpu.memory_space<vmem>>
      %dma_start3A_63 = arith.constant 0 : i32
      %dma_start3A_64 = tpu.memref_slice %arg2[%dma_start3A_63] : memref<83200000xf32, #tpu.memory_space<hbm>> -> memref<83200000xf32, #tpu.memory_space<hbm>>
      tpu.enqueue_indirect_dma source(%dma_start3A_64 : memref<83200000xf32, #tpu.memory_space<hbm>>) target(%dma_start3A_60 : memref<128xf32, #tpu.memory_space<vmem>>) offsets(%dma_start3A_62 : memref<128xi32, #tpu.memory_space<vmem>>) semaphore(%arg9 : memref<!tpu.dma_semaphore, #tpu.memory_space<semaphore_mem>>)
      %dma_start3A_65 = arith.constant 640 : i32
      %dma_start3A_66 = tpu.memref_slice %arg8[%dma_start3A_65] : memref<4096xf32, #tpu.memory_space<vmem>> -> memref<128xf32, #tpu.memory_space<vmem>>
      %dma_start3A_67 = arith.constant 640 : i32
      %dma_start3A_68 = tpu.memref_slice %arg7[%dma_start3A_67] : memref<4096xi32, #tpu.memory_space<vmem>> -> memref<128xi32, #tpu.memory_space<vmem>>
      %dma_start3A_69 = arith.constant 0 : i32
      %dma_start3A_70 = tpu.memref_slice %arg2[%dma_start3A_69] : memref<83200000xf32, #tpu.memory_space<hbm>> -> memref<83200000xf32, #tpu.memory_space<hbm>>
      tpu.enqueue_indirect_dma source(%dma_start3A_70 : memref<83200000xf32, #tpu.memory_space<hbm>>) target(%dma_start3A_66 : memref<128xf32, #tpu.memory_space<vmem>>) offsets(%dma_start3A_68 : memref<128xi32, #tpu.memory_space<vmem>>) semaphore(%arg9 : memref<!tpu.dma_semaphore, #tpu.memory_space<semaphore_mem>>)
      %dma_start3A_71 = arith.constant 768 : i32
      %dma_start3A_72 = tpu.memref_slice %arg8[%dma_start3A_71] : memref<4096xf32, #tpu.memory_space<vmem>> -> memref<128xf32, #tpu.memory_space<vmem>>
      %dma_start3A_73 = arith.constant 768 : i32
      %dma_start3A_74 = tpu.memref_slice %arg7[%dma_start3A_73] : memref<4096xi32, #tpu.memory_space<vmem>> -> memref<128xi32, #tpu.memory_space<vmem>>
      %dma_start3A_75 = arith.constant 0 : i32
      %dma_start3A_76 = tpu.memref_slice %arg2[%dma_start3A_75] : memref<83200000xf32, #tpu.memory_space<hbm>> -> memref<83200000xf32, #tpu.memory_space<hbm>>
      tpu.enqueue_indirect_dma source(%dma_start3A_76 : memref<83200000xf32, #tpu.memory_space<hbm>>) target(%dma_start3A_72 : memref<128xf32, #tpu.memory_space<vmem>>) offsets(%dma_start3A_74 : memref<128xi32, #tpu.memory_space<vmem>>) semaphore(%arg9 : memref<!tpu.dma_semaphore, #tpu.memory_space<semaphore_mem>>)
      %dma_start3A_77 = arith.constant 896 : i32
      %dma_start3A_78 = tpu.memref_slice %arg8[%dma_start3A_77] : memref<4096xf32, #tpu.memory_space<vmem>> -> memref<128xf32, #tpu.memory_space<vmem>>
      %dma_start3A_79 = arith.constant 896 : i32
      %dma_start3A_80 = tpu.memref_slice %arg7[%dma_start3A_79] : memref<4096xi32, #tpu.memory_space<vmem>> -> memref<128xi32, #tpu.memory_space<vmem>>
      %dma_start3A_81 = arith.constant 0 : i32
      %dma_start3A_82 = tpu.memref_slice %arg2[%dma_start3A_81] : memref<83200000xf32, #tpu.memory_space<hbm>> -> memref<83200000xf32, #tpu.memory_space<hbm>>
      tpu.enqueue_indirect_dma source(%dma_start3A_82 : memref<83200000xf32, #tpu.memory_space<hbm>>) target(%dma_start3A_78 : memref<128xf32, #tpu.memory_space<vmem>>) offsets(%dma_start3A_80 : memref<128xi32, #tpu.memory_space<vmem>>) semaphore(%arg9 : memref<!tpu.dma_semaphore, #tpu.memory_space<semaphore_mem>>)
      %dma_start3A_83 = arith.constant 1024 : i32
      %dma_start3A_84 = tpu.memref_slice %arg8[%dma_start3A_83] : memref<4096xf32, #tpu.memory_space<vmem>> -> memref<128xf32, #tpu.memory_space<vmem>>
      %dma_start3A_85 = arith.constant 1024 : i32
      %dma_start3A_86 = tpu.memref_slice %arg7[%dma_start3A_85] : memref<4096xi32, #tpu.memory_space<vmem>> -> memref<128xi32, #tpu.memory_space<vmem>>
      %dma_start3A_87 = arith.constant 0 : i32
      %dma_start3A_88 = tpu.memref_slice %arg2[%dma_start3A_87] : memref<83200000xf32, #tpu.memory_space<hbm>> -> memref<83200000xf32, #tpu.memory_space<hbm>>
      tpu.enqueue_indirect_dma source(%dma_start3A_88 : memref<83200000xf32, #tpu.memory_space<hbm>>) target(%dma_start3A_84 : memref<128xf32, #tpu.memory_space<vmem>>) offsets(%dma_start3A_86 : memref<128xi32, #tpu.memory_space<vmem>>) semaphore(%arg9 : memref<!tpu.dma_semaphore, #tpu.memory_space<semaphore_mem>>)
      %dma_start3A_89 = arith.constant 1152 : i32
      %dma_start3A_90 = tpu.memref_slice %arg8[%dma_start3A_89] : memref<4096xf32, #tpu.memory_space<vmem>> -> memref<128xf32, #tpu.memory_space<vmem>>
      %dma_start3A_91 = arith.constant 1152 : i32
      %dma_start3A_92 = tpu.memref_slice %arg7[%dma_start3A_91] : memref<4096xi32, #tpu.memory_space<vmem>> -> memref<128xi32, #tpu.memory_space<vmem>>
      %dma_start3A_93 = arith.constant 0 : i32
      %dma_start3A_94 = tpu.memref_slice %arg2[%dma_start3A_93] : memref<83200000xf32, #tpu.memory_space<hbm>> -> memref<83200000xf32, #tpu.memory_space<hbm>>
      tpu.enqueue_indirect_dma source(%dma_start3A_94 : memref<83200000xf32, #tpu.memory_space<hbm>>) target(%dma_start3A_90 : memref<128xf32, #tpu.memory_space<vmem>>) offsets(%dma_start3A_92 : memref<128xi32, #tpu.memory_space<vmem>>) semaphore(%arg9 : memref<!tpu.dma_semaphore, #tpu.memory_space<semaphore_mem>>)
      %dma_start3A_95 = arith.constant 1280 : i32
      %dma_start3A_96 = tpu.memref_slice %arg8[%dma_start3A_95] : memref<4096xf32, #tpu.memory_space<vmem>> -> memref<128xf32, #tpu.memory_space<vmem>>
      %dma_start3A_97 = arith.constant 1280 : i32
      %dma_start3A_98 = tpu.memref_slice %arg7[%dma_start3A_97] : memref<4096xi32, #tpu.memory_space<vmem>> -> memref<128xi32, #tpu.memory_space<vmem>>
      %dma_start3A_99 = arith.constant 0 : i32
      %dma_start3A_100 = tpu.memref_slice %arg2[%dma_start3A_99] : memref<83200000xf32, #tpu.memory_space<hbm>> -> memref<83200000xf32, #tpu.memory_space<hbm>>
      tpu.enqueue_indirect_dma source(%dma_start3A_100 : memref<83200000xf32, #tpu.memory_space<hbm>>) target(%dma_start3A_96 : memref<128xf32, #tpu.memory_space<vmem>>) offsets(%dma_start3A_98 : memref<128xi32, #tpu.memory_space<vmem>>) semaphore(%arg9 : memref<!tpu.dma_semaphore, #tpu.memory_space<semaphore_mem>>)
      %dma_start3A_101 = arith.constant 1408 : i32
      %dma_start3A_102 = tpu.memref_slice %arg8[%dma_start3A_101] : memref<4096xf32, #tpu.memory_space<vmem>> -> memref<128xf32, #tpu.memory_space<vmem>>
      %dma_start3A_103 = arith.constant 1408 : i32
      %dma_start3A_104 = tpu.memref_slice %arg7[%dma_start3A_103] : memref<4096xi32, #tpu.memory_space<vmem>> -> memref<128xi32, #tpu.memory_space<vmem>>
      %dma_start3A_105 = arith.constant 0 : i32
      %dma_start3A_106 = tpu.memref_slice %arg2[%dma_start3A_105] : memref<83200000xf32, #tpu.memory_space<hbm>> -> memref<83200000xf32, #tpu.memory_space<hbm>>
      tpu.enqueue_indirect_dma source(%dma_start3A_106 : memref<83200000xf32, #tpu.memory_space<hbm>>) target(%dma_start3A_102 : memref<128xf32, #tpu.memory_space<vmem>>) offsets(%dma_start3A_104 : memref<128xi32, #tpu.memory_space<vmem>>) semaphore(%arg9 : memref<!tpu.dma_semaphore, #tpu.memory_space<semaphore_mem>>)
      %dma_start3A_107 = arith.constant 1536 : i32
      %dma_start3A_108 = tpu.memref_slice %arg8[%dma_start3A_107] : memref<4096xf32, #tpu.memory_space<vmem>> -> memref<128xf32, #tpu.memory_space<vmem>>
      %dma_start3A_109 = arith.constant 1536 : i32
      %dma_start3A_110 = tpu.memref_slice %arg7[%dma_start3A_109] : memref<4096xi32, #tpu.memory_space<vmem>> -> memref<128xi32, #tpu.memory_space<vmem>>
      %dma_start3A_111 = arith.constant 0 : i32
      %dma_start3A_112 = tpu.memref_slice %arg2[%dma_start3A_111] : memref<83200000xf32, #tpu.memory_space<hbm>> -> memref<83200000xf32, #tpu.memory_space<hbm>>
      tpu.enqueue_indirect_dma source(%dma_start3A_112 : memref<83200000xf32, #tpu.memory_space<hbm>>) target(%dma_start3A_108 : memref<128xf32, #tpu.memory_space<vmem>>) offsets(%dma_start3A_110 : memref<128xi32, #tpu.memory_space<vmem>>) semaphore(%arg9 : memref<!tpu.dma_semaphore, #tpu.memory_space<semaphore_mem>>)
      %dma_start3A_113 = arith.constant 1664 : i32
      %dma_start3A_114 = tpu.memref_slice %arg8[%dma_start3A_113] : memref<4096xf32, #tpu.memory_space<vmem>> -> memref<128xf32, #tpu.memory_space<vmem>>
      %dma_start3A_115 = arith.constant 1664 : i32
      %dma_start3A_116 = tpu.memref_slice %arg7[%dma_start3A_115] : memref<4096xi32, #tpu.memory_space<vmem>> -> memref<128xi32, #tpu.memory_space<vmem>>
      %dma_start3A_117 = arith.constant 0 : i32
      %dma_start3A_118 = tpu.memref_slice %arg2[%dma_start3A_117] : memref<83200000xf32, #tpu.memory_space<hbm>> -> memref<83200000xf32, #tpu.memory_space<hbm>>
      tpu.enqueue_indirect_dma source(%dma_start3A_118 : memref<83200000xf32, #tpu.memory_space<hbm>>) target(%dma_start3A_114 : memref<128xf32, #tpu.memory_space<vmem>>) offsets(%dma_start3A_116 : memref<128xi32, #tpu.memory_space<vmem>>) semaphore(%arg9 : memref<!tpu.dma_semaphore, #tpu.memory_space<semaphore_mem>>)
      %dma_start3A_119 = arith.constant 1792 : i32
      %dma_start3A_120 = tpu.memref_slice %arg8[%dma_start3A_119] : memref<4096xf32, #tpu.memory_space<vmem>> -> memref<128xf32, #tpu.memory_space<vmem>>
      %dma_start3A_121 = arith.constant 1792 : i32
      %dma_start3A_122 = tpu.memref_slice %arg7[%dma_start3A_121] : memref<4096xi32, #tpu.memory_space<vmem>> -> memref<128xi32, #tpu.memory_space<vmem>>
      %dma_start3A_123 = arith.constant 0 : i32
      %dma_start3A_124 = tpu.memref_slice %arg2[%dma_start3A_123] : memref<83200000xf32, #tpu.memory_space<hbm>> -> memref<83200000xf32, #tpu.memory_space<hbm>>
      tpu.enqueue_indirect_dma source(%dma_start3A_124 : memref<83200000xf32, #tpu.memory_space<hbm>>) target(%dma_start3A_120 : memref<128xf32, #tpu.memory_space<vmem>>) offsets(%dma_start3A_122 : memref<128xi32, #tpu.memory_space<vmem>>) semaphore(%arg9 : memref<!tpu.dma_semaphore, #tpu.memory_space<semaphore_mem>>)
      %dma_start3A_125 = arith.constant 1920 : i32
      %dma_start3A_126 = tpu.memref_slice %arg8[%dma_start3A_125] : memref<4096xf32, #tpu.memory_space<vmem>> -> memref<128xf32, #tpu.memory_space<vmem>>
      %dma_start3A_127 = arith.constant 1920 : i32
      %dma_start3A_128 = tpu.memref_slice %arg7[%dma_start3A_127] : memref<4096xi32, #tpu.memory_space<vmem>> -> memref<128xi32, #tpu.memory_space<vmem>>
      %dma_start3A_129 = arith.constant 0 : i32
      %dma_start3A_130 = tpu.memref_slice %arg2[%dma_start3A_129] : memref<83200000xf32, #tpu.memory_space<hbm>> -> memref<83200000xf32, #tpu.memory_space<hbm>>
      tpu.enqueue_indirect_dma source(%dma_start3A_130 : memref<83200000xf32, #tpu.memory_space<hbm>>) target(%dma_start3A_126 : memref<128xf32, #tpu.memory_space<vmem>>) offsets(%dma_start3A_128 : memref<128xi32, #tpu.memory_space<vmem>>) semaphore(%arg9 : memref<!tpu.dma_semaphore, #tpu.memory_space<semaphore_mem>>)
      %dma_start3A_131 = arith.constant 2048 : i32
      %dma_start3A_132 = tpu.memref_slice %arg8[%dma_start3A_131] : memref<4096xf32, #tpu.memory_space<vmem>> -> memref<128xf32, #tpu.memory_space<vmem>>
      %dma_start3A_133 = arith.constant 2048 : i32
      %dma_start3A_134 = tpu.memref_slice %arg7[%dma_start3A_133] : memref<4096xi32, #tpu.memory_space<vmem>> -> memref<128xi32, #tpu.memory_space<vmem>>
      %dma_start3A_135 = arith.constant 0 : i32
      %dma_start3A_136 = tpu.memref_slice %arg2[%dma_start3A_135] : memref<83200000xf32, #tpu.memory_space<hbm>> -> memref<83200000xf32, #tpu.memory_space<hbm>>
      tpu.enqueue_indirect_dma source(%dma_start3A_136 : memref<83200000xf32, #tpu.memory_space<hbm>>) target(%dma_start3A_132 : memref<128xf32, #tpu.memory_space<vmem>>) offsets(%dma_start3A_134 : memref<128xi32, #tpu.memory_space<vmem>>) semaphore(%arg9 : memref<!tpu.dma_semaphore, #tpu.memory_space<semaphore_mem>>)
      %dma_start3A_137 = arith.constant 2176 : i32
      %dma_start3A_138 = tpu.memref_slice %arg8[%dma_start3A_137] : memref<4096xf32, #tpu.memory_space<vmem>> -> memref<128xf32, #tpu.memory_space<vmem>>
      %dma_start3A_139 = arith.constant 2176 : i32
      %dma_start3A_140 = tpu.memref_slice %arg7[%dma_start3A_139] : memref<4096xi32, #tpu.memory_space<vmem>> -> memref<128xi32, #tpu.memory_space<vmem>>
      %dma_start3A_141 = arith.constant 0 : i32
      %dma_start3A_142 = tpu.memref_slice %arg2[%dma_start3A_141] : memref<83200000xf32, #tpu.memory_space<hbm>> -> memref<83200000xf32, #tpu.memory_space<hbm>>
      tpu.enqueue_indirect_dma source(%dma_start3A_142 : memref<83200000xf32, #tpu.memory_space<hbm>>) target(%dma_start3A_138 : memref<128xf32, #tpu.memory_space<vmem>>) offsets(%dma_start3A_140 : memref<128xi32, #tpu.memory_space<vmem>>) semaphore(%arg9 : memref<!tpu.dma_semaphore, #tpu.memory_space<semaphore_mem>>)
      %dma_start3A_143 = arith.constant 2304 : i32
      %dma_start3A_144 = tpu.memref_slice %arg8[%dma_start3A_143] : memref<4096xf32, #tpu.memory_space<vmem>> -> memref<128xf32, #tpu.memory_space<vmem>>
      %dma_start3A_145 = arith.constant 2304 : i32
      %dma_start3A_146 = tpu.memref_slice %arg7[%dma_start3A_145] : memref<4096xi32, #tpu.memory_space<vmem>> -> memref<128xi32, #tpu.memory_space<vmem>>
      %dma_start3A_147 = arith.constant 0 : i32
      %dma_start3A_148 = tpu.memref_slice %arg2[%dma_start3A_147] : memref<83200000xf32, #tpu.memory_space<hbm>> -> memref<83200000xf32, #tpu.memory_space<hbm>>
      tpu.enqueue_indirect_dma source(%dma_start3A_148 : memref<83200000xf32, #tpu.memory_space<hbm>>) target(%dma_start3A_144 : memref<128xf32, #tpu.memory_space<vmem>>) offsets(%dma_start3A_146 : memref<128xi32, #tpu.memory_space<vmem>>) semaphore(%arg9 : memref<!tpu.dma_semaphore, #tpu.memory_space<semaphore_mem>>)
      %dma_start3A_149 = arith.constant 2432 : i32
      %dma_start3A_150 = tpu.memref_slice %arg8[%dma_start3A_149] : memref<4096xf32, #tpu.memory_space<vmem>> -> memref<128xf32, #tpu.memory_space<vmem>>
      %dma_start3A_151 = arith.constant 2432 : i32
      %dma_start3A_152 = tpu.memref_slice %arg7[%dma_start3A_151] : memref<4096xi32, #tpu.memory_space<vmem>> -> memref<128xi32, #tpu.memory_space<vmem>>
      %dma_start3A_153 = arith.constant 0 : i32
      %dma_start3A_154 = tpu.memref_slice %arg2[%dma_start3A_153] : memref<83200000xf32, #tpu.memory_space<hbm>> -> memref<83200000xf32, #tpu.memory_space<hbm>>
      tpu.enqueue_indirect_dma source(%dma_start3A_154 : memref<83200000xf32, #tpu.memory_space<hbm>>) target(%dma_start3A_150 : memref<128xf32, #tpu.memory_space<vmem>>) offsets(%dma_start3A_152 : memref<128xi32, #tpu.memory_space<vmem>>) semaphore(%arg9 : memref<!tpu.dma_semaphore, #tpu.memory_space<semaphore_mem>>)
      %dma_start3A_155 = arith.constant 2560 : i32
      %dma_start3A_156 = tpu.memref_slice %arg8[%dma_start3A_155] : memref<4096xf32, #tpu.memory_space<vmem>> -> memref<128xf32, #tpu.memory_space<vmem>>
      %dma_start3A_157 = arith.constant 2560 : i32
      %dma_start3A_158 = tpu.memref_slice %arg7[%dma_start3A_157] : memref<4096xi32, #tpu.memory_space<vmem>> -> memref<128xi32, #tpu.memory_space<vmem>>
      %dma_start3A_159 = arith.constant 0 : i32
      %dma_start3A_160 = tpu.memref_slice %arg2[%dma_start3A_159] : memref<83200000xf32, #tpu.memory_space<hbm>> -> memref<83200000xf32, #tpu.memory_space<hbm>>
      tpu.enqueue_indirect_dma source(%dma_start3A_160 : memref<83200000xf32, #tpu.memory_space<hbm>>) target(%dma_start3A_156 : memref<128xf32, #tpu.memory_space<vmem>>) offsets(%dma_start3A_158 : memref<128xi32, #tpu.memory_space<vmem>>) semaphore(%arg9 : memref<!tpu.dma_semaphore, #tpu.memory_space<semaphore_mem>>)
      %dma_start3A_161 = arith.constant 2688 : i32
      %dma_start3A_162 = tpu.memref_slice %arg8[%dma_start3A_161] : memref<4096xf32, #tpu.memory_space<vmem>> -> memref<128xf32, #tpu.memory_space<vmem>>
      %dma_start3A_163 = arith.constant 2688 : i32
      %dma_start3A_164 = tpu.memref_slice %arg7[%dma_start3A_163] : memref<4096xi32, #tpu.memory_space<vmem>> -> memref<128xi32, #tpu.memory_space<vmem>>
      %dma_start3A_165 = arith.constant 0 : i32
      %dma_start3A_166 = tpu.memref_slice %arg2[%dma_start3A_165] : memref<83200000xf32, #tpu.memory_space<hbm>> -> memref<83200000xf32, #tpu.memory_space<hbm>>
      tpu.enqueue_indirect_dma source(%dma_start3A_166 : memref<83200000xf32, #tpu.memory_space<hbm>>) target(%dma_start3A_162 : memref<128xf32, #tpu.memory_space<vmem>>) offsets(%dma_start3A_164 : memref<128xi32, #tpu.memory_space<vmem>>) semaphore(%arg9 : memref<!tpu.dma_semaphore, #tpu.memory_space<semaphore_mem>>)
      %dma_start3A_167 = arith.constant 2816 : i32
      %dma_start3A_168 = tpu.memref_slice %arg8[%dma_start3A_167] : memref<4096xf32, #tpu.memory_space<vmem>> -> memref<128xf32, #tpu.memory_space<vmem>>
      %dma_start3A_169 = arith.constant 2816 : i32
      %dma_start3A_170 = tpu.memref_slice %arg7[%dma_start3A_169] : memref<4096xi32, #tpu.memory_space<vmem>> -> memref<128xi32, #tpu.memory_space<vmem>>
      %dma_start3A_171 = arith.constant 0 : i32
      %dma_start3A_172 = tpu.memref_slice %arg2[%dma_start3A_171] : memref<83200000xf32, #tpu.memory_space<hbm>> -> memref<83200000xf32, #tpu.memory_space<hbm>>
      tpu.enqueue_indirect_dma source(%dma_start3A_172 : memref<83200000xf32, #tpu.memory_space<hbm>>) target(%dma_start3A_168 : memref<128xf32, #tpu.memory_space<vmem>>) offsets(%dma_start3A_170 : memref<128xi32, #tpu.memory_space<vmem>>) semaphore(%arg9 : memref<!tpu.dma_semaphore, #tpu.memory_space<semaphore_mem>>)
      %dma_start3A_173 = arith.constant 2944 : i32
      %dma_start3A_174 = tpu.memref_slice %arg8[%dma_start3A_173] : memref<4096xf32, #tpu.memory_space<vmem>> -> memref<128xf32, #tpu.memory_space<vmem>>
      %dma_start3A_175 = arith.constant 2944 : i32
      %dma_start3A_176 = tpu.memref_slice %arg7[%dma_start3A_175] : memref<4096xi32, #tpu.memory_space<vmem>> -> memref<128xi32, #tpu.memory_space<vmem>>
      %dma_start3A_177 = arith.constant 0 : i32
      %dma_start3A_178 = tpu.memref_slice %arg2[%dma_start3A_177] : memref<83200000xf32, #tpu.memory_space<hbm>> -> memref<83200000xf32, #tpu.memory_space<hbm>>
      tpu.enqueue_indirect_dma source(%dma_start3A_178 : memref<83200000xf32, #tpu.memory_space<hbm>>) target(%dma_start3A_174 : memref<128xf32, #tpu.memory_space<vmem>>) offsets(%dma_start3A_176 : memref<128xi32, #tpu.memory_space<vmem>>) semaphore(%arg9 : memref<!tpu.dma_semaphore, #tpu.memory_space<semaphore_mem>>)
      %dma_start3A_179 = arith.constant 3072 : i32
      %dma_start3A_180 = tpu.memref_slice %arg8[%dma_start3A_179] : memref<4096xf32, #tpu.memory_space<vmem>> -> memref<128xf32, #tpu.memory_space<vmem>>
      %dma_start3A_181 = arith.constant 3072 : i32
      %dma_start3A_182 = tpu.memref_slice %arg7[%dma_start3A_181] : memref<4096xi32, #tpu.memory_space<vmem>> -> memref<128xi32, #tpu.memory_space<vmem>>
      %dma_start3A_183 = arith.constant 0 : i32
      %dma_start3A_184 = tpu.memref_slice %arg2[%dma_start3A_183] : memref<83200000xf32, #tpu.memory_space<hbm>> -> memref<83200000xf32, #tpu.memory_space<hbm>>
      tpu.enqueue_indirect_dma source(%dma_start3A_184 : memref<83200000xf32, #tpu.memory_space<hbm>>) target(%dma_start3A_180 : memref<128xf32, #tpu.memory_space<vmem>>) offsets(%dma_start3A_182 : memref<128xi32, #tpu.memory_space<vmem>>) semaphore(%arg9 : memref<!tpu.dma_semaphore, #tpu.memory_space<semaphore_mem>>)
      %dma_start3A_185 = arith.constant 3200 : i32
      %dma_start3A_186 = tpu.memref_slice %arg8[%dma_start3A_185] : memref<4096xf32, #tpu.memory_space<vmem>> -> memref<128xf32, #tpu.memory_space<vmem>>
      %dma_start3A_187 = arith.constant 3200 : i32
      %dma_start3A_188 = tpu.memref_slice %arg7[%dma_start3A_187] : memref<4096xi32, #tpu.memory_space<vmem>> -> memref<128xi32, #tpu.memory_space<vmem>>
      %dma_start3A_189 = arith.constant 0 : i32
      %dma_start3A_190 = tpu.memref_slice %arg2[%dma_start3A_189] : memref<83200000xf32, #tpu.memory_space<hbm>> -> memref<83200000xf32, #tpu.memory_space<hbm>>
      tpu.enqueue_indirect_dma source(%dma_start3A_190 : memref<83200000xf32, #tpu.memory_space<hbm>>) target(%dma_start3A_186 : memref<128xf32, #tpu.memory_space<vmem>>) offsets(%dma_start3A_188 : memref<128xi32, #tpu.memory_space<vmem>>) semaphore(%arg9 : memref<!tpu.dma_semaphore, #tpu.memory_space<semaphore_mem>>)
      %dma_start3A_191 = arith.constant 3328 : i32
      %dma_start3A_192 = tpu.memref_slice %arg8[%dma_start3A_191] : memref<4096xf32, #tpu.memory_space<vmem>> -> memref<128xf32, #tpu.memory_space<vmem>>
      %dma_start3A_193 = arith.constant 3328 : i32
      %dma_start3A_194 = tpu.memref_slice %arg7[%dma_start3A_193] : memref<4096xi32, #tpu.memory_space<vmem>> -> memref<128xi32, #tpu.memory_space<vmem>>
      %dma_start3A_195 = arith.constant 0 : i32
      %dma_start3A_196 = tpu.memref_slice %arg2[%dma_start3A_195] : memref<83200000xf32, #tpu.memory_space<hbm>> -> memref<83200000xf32, #tpu.memory_space<hbm>>
      tpu.enqueue_indirect_dma source(%dma_start3A_196 : memref<83200000xf32, #tpu.memory_space<hbm>>) target(%dma_start3A_192 : memref<128xf32, #tpu.memory_space<vmem>>) offsets(%dma_start3A_194 : memref<128xi32, #tpu.memory_space<vmem>>) semaphore(%arg9 : memref<!tpu.dma_semaphore, #tpu.memory_space<semaphore_mem>>)
      %dma_start3A_197 = arith.constant 3456 : i32
      %dma_start3A_198 = tpu.memref_slice %arg8[%dma_start3A_197] : memref<4096xf32, #tpu.memory_space<vmem>> -> memref<128xf32, #tpu.memory_space<vmem>>
      %dma_start3A_199 = arith.constant 3456 : i32
      %dma_start3A_200 = tpu.memref_slice %arg7[%dma_start3A_199] : memref<4096xi32, #tpu.memory_space<vmem>> -> memref<128xi32, #tpu.memory_space<vmem>>
      %dma_start3A_201 = arith.constant 0 : i32
      %dma_start3A_202 = tpu.memref_slice %arg2[%dma_start3A_201] : memref<83200000xf32, #tpu.memory_space<hbm>> -> memref<83200000xf32, #tpu.memory_space<hbm>>
      tpu.enqueue_indirect_dma source(%dma_start3A_202 : memref<83200000xf32, #tpu.memory_space<hbm>>) target(%dma_start3A_198 : memref<128xf32, #tpu.memory_space<vmem>>) offsets(%dma_start3A_200 : memref<128xi32, #tpu.memory_space<vmem>>) semaphore(%arg9 : memref<!tpu.dma_semaphore, #tpu.memory_space<semaphore_mem>>)
      %dma_start3A_203 = arith.constant 3584 : i32
      %dma_start3A_204 = tpu.memref_slice %arg8[%dma_start3A_203] : memref<4096xf32, #tpu.memory_space<vmem>> -> memref<128xf32, #tpu.memory_space<vmem>>
      %dma_start3A_205 = arith.constant 3584 : i32
      %dma_start3A_206 = tpu.memref_slice %arg7[%dma_start3A_205] : memref<4096xi32, #tpu.memory_space<vmem>> -> memref<128xi32, #tpu.memory_space<vmem>>
      %dma_start3A_207 = arith.constant 0 : i32
      %dma_start3A_208 = tpu.memref_slice %arg2[%dma_start3A_207] : memref<83200000xf32, #tpu.memory_space<hbm>> -> memref<83200000xf32, #tpu.memory_space<hbm>>
      tpu.enqueue_indirect_dma source(%dma_start3A_208 : memref<83200000xf32, #tpu.memory_space<hbm>>) target(%dma_start3A_204 : memref<128xf32, #tpu.memory_space<vmem>>) offsets(%dma_start3A_206 : memref<128xi32, #tpu.memory_space<vmem>>) semaphore(%arg9 : memref<!tpu.dma_semaphore, #tpu.memory_space<semaphore_mem>>)
      %dma_start3A_209 = arith.constant 3712 : i32
      %dma_start3A_210 = tpu.memref_slice %arg8[%dma_start3A_209] : memref<4096xf32, #tpu.memory_space<vmem>> -> memref<128xf32, #tpu.memory_space<vmem>>
      %dma_start3A_211 = arith.constant 3712 : i32
      %dma_start3A_212 = tpu.memref_slice %arg7[%dma_start3A_211] : memref<4096xi32, #tpu.memory_space<vmem>> -> memref<128xi32, #tpu.memory_space<vmem>>
      %dma_start3A_213 = arith.constant 0 : i32
      %dma_start3A_214 = tpu.memref_slice %arg2[%dma_start3A_213] : memref<83200000xf32, #tpu.memory_space<hbm>> -> memref<83200000xf32, #tpu.memory_space<hbm>>
      tpu.enqueue_indirect_dma source(%dma_start3A_214 : memref<83200000xf32, #tpu.memory_space<hbm>>) target(%dma_start3A_210 : memref<128xf32, #tpu.memory_space<vmem>>) offsets(%dma_start3A_212 : memref<128xi32, #tpu.memory_space<vmem>>) semaphore(%arg9 : memref<!tpu.dma_semaphore, #tpu.memory_space<semaphore_mem>>)
      %dma_start3A_215 = arith.constant 3840 : i32
      %dma_start3A_216 = tpu.memref_slice %arg8[%dma_start3A_215] : memref<4096xf32, #tpu.memory_space<vmem>> -> memref<128xf32, #tpu.memory_space<vmem>>
      %dma_start3A_217 = arith.constant 3840 : i32
      %dma_start3A_218 = tpu.memref_slice %arg7[%dma_start3A_217] : memref<4096xi32, #tpu.memory_space<vmem>> -> memref<128xi32, #tpu.memory_space<vmem>>
      %dma_start3A_219 = arith.constant 0 : i32
      %dma_start3A_220 = tpu.memref_slice %arg2[%dma_start3A_219] : memref<83200000xf32, #tpu.memory_space<hbm>> -> memref<83200000xf32, #tpu.memory_space<hbm>>
      tpu.enqueue_indirect_dma source(%dma_start3A_220 : memref<83200000xf32, #tpu.memory_space<hbm>>) target(%dma_start3A_216 : memref<128xf32, #tpu.memory_space<vmem>>) offsets(%dma_start3A_218 : memref<128xi32, #tpu.memory_space<vmem>>) semaphore(%arg9 : memref<!tpu.dma_semaphore, #tpu.memory_space<semaphore_mem>>)
      %dma_start3A_221 = arith.constant 3968 : i32
      %dma_start3A_222 = tpu.memref_slice %arg8[%dma_start3A_221] : memref<4096xf32, #tpu.memory_space<vmem>> -> memref<128xf32, #tpu.memory_space<vmem>>
      %dma_start3A_223 = arith.constant 3968 : i32
      %dma_start3A_224 = tpu.memref_slice %arg7[%dma_start3A_223] : memref<4096xi32, #tpu.memory_space<vmem>> -> memref<128xi32, #tpu.memory_space<vmem>>
      %dma_start3A_225 = arith.constant 0 : i32
      %dma_start3A_226 = tpu.memref_slice %arg2[%dma_start3A_225] : memref<83200000xf32, #tpu.memory_space<hbm>> -> memref<83200000xf32, #tpu.memory_space<hbm>>
      tpu.enqueue_indirect_dma source(%dma_start3A_226 : memref<83200000xf32, #tpu.memory_space<hbm>>) target(%dma_start3A_222 : memref<128xf32, #tpu.memory_space<vmem>>) offsets(%dma_start3A_224 : memref<128xi32, #tpu.memory_space<vmem>>) semaphore(%arg9 : memref<!tpu.dma_semaphore, #tpu.memory_space<semaphore_mem>>)
      %dma_wait3A = arith.constant 0 : i32
      %dma_wait3A_227 = tpu.memref_slice %arg8[%dma_wait3A] : memref<4096xf32, #tpu.memory_space<vmem>> -> memref<128xf32, #tpu.memory_space<vmem>>
      %dma_wait3A_228 = arith.constant 0 : i32
      %dma_wait3A_229 = tpu.memref_slice %arg7[%dma_wait3A_228] : memref<4096xi32, #tpu.memory_space<vmem>> -> memref<128xi32, #tpu.memory_space<vmem>>
      %dma_wait3A_230 = arith.constant 0 : i32
      %dma_wait3A_231 = tpu.memref_slice %arg2[%dma_wait3A_230] : memref<83200000xf32, #tpu.memory_space<hbm>> -> memref<83200000xf32, #tpu.memory_space<hbm>>
      tpu.wait_indirect_dma semaphore(%arg9 : memref<!tpu.dma_semaphore, #tpu.memory_space<semaphore_mem>>) src(%dma_wait3A_231 : memref<83200000xf32, #tpu.memory_space<hbm>>) dst(%dma_wait3A_227 : memref<128xf32, #tpu.memory_space<vmem>>)
      %dma_wait3A_232 = arith.constant 128 : i32
      %dma_wait3A_233 = tpu.memref_slice %arg8[%dma_wait3A_232] : memref<4096xf32, #tpu.memory_space<vmem>> -> memref<128xf32, #tpu.memory_space<vmem>>
      %dma_wait3A_234 = arith.constant 128 : i32
      %dma_wait3A_235 = tpu.memref_slice %arg7[%dma_wait3A_234] : memref<4096xi32, #tpu.memory_space<vmem>> -> memref<128xi32, #tpu.memory_space<vmem>>
      %dma_wait3A_236 = arith.constant 0 : i32
      %dma_wait3A_237 = tpu.memref_slice %arg2[%dma_wait3A_236] : memref<83200000xf32, #tpu.memory_space<hbm>> -> memref<83200000xf32, #tpu.memory_space<hbm>>
      tpu.wait_indirect_dma semaphore(%arg9 : memref<!tpu.dma_semaphore, #tpu.memory_space<semaphore_mem>>) src(%dma_wait3A_237 : memref<83200000xf32, #tpu.memory_space<hbm>>) dst(%dma_wait3A_233 : memref<128xf32, #tpu.memory_space<vmem>>)
      %dma_wait3A_238 = arith.constant 256 : i32
      %dma_wait3A_239 = tpu.memref_slice %arg8[%dma_wait3A_238] : memref<4096xf32, #tpu.memory_space<vmem>> -> memref<128xf32, #tpu.memory_space<vmem>>
      %dma_wait3A_240 = arith.constant 256 : i32
      %dma_wait3A_241 = tpu.memref_slice %arg7[%dma_wait3A_240] : memref<4096xi32, #tpu.memory_space<vmem>> -> memref<128xi32, #tpu.memory_space<vmem>>
      %dma_wait3A_242 = arith.constant 0 : i32
      %dma_wait3A_243 = tpu.memref_slice %arg2[%dma_wait3A_242] : memref<83200000xf32, #tpu.memory_space<hbm>> -> memref<83200000xf32, #tpu.memory_space<hbm>>
      tpu.wait_indirect_dma semaphore(%arg9 : memref<!tpu.dma_semaphore, #tpu.memory_space<semaphore_mem>>) src(%dma_wait3A_243 : memref<83200000xf32, #tpu.memory_space<hbm>>) dst(%dma_wait3A_239 : memref<128xf32, #tpu.memory_space<vmem>>)
      %dma_wait3A_244 = arith.constant 384 : i32
      %dma_wait3A_245 = tpu.memref_slice %arg8[%dma_wait3A_244] : memref<4096xf32, #tpu.memory_space<vmem>> -> memref<128xf32, #tpu.memory_space<vmem>>
      %dma_wait3A_246 = arith.constant 384 : i32
      %dma_wait3A_247 = tpu.memref_slice %arg7[%dma_wait3A_246] : memref<4096xi32, #tpu.memory_space<vmem>> -> memref<128xi32, #tpu.memory_space<vmem>>
      %dma_wait3A_248 = arith.constant 0 : i32
      %dma_wait3A_249 = tpu.memref_slice %arg2[%dma_wait3A_248] : memref<83200000xf32, #tpu.memory_space<hbm>> -> memref<83200000xf32, #tpu.memory_space<hbm>>
      tpu.wait_indirect_dma semaphore(%arg9 : memref<!tpu.dma_semaphore, #tpu.memory_space<semaphore_mem>>) src(%dma_wait3A_249 : memref<83200000xf32, #tpu.memory_space<hbm>>) dst(%dma_wait3A_245 : memref<128xf32, #tpu.memory_space<vmem>>)
      %dma_wait3A_250 = arith.constant 512 : i32
      %dma_wait3A_251 = tpu.memref_slice %arg8[%dma_wait3A_250] : memref<4096xf32, #tpu.memory_space<vmem>> -> memref<128xf32, #tpu.memory_space<vmem>>
      %dma_wait3A_252 = arith.constant 512 : i32
      %dma_wait3A_253 = tpu.memref_slice %arg7[%dma_wait3A_252] : memref<4096xi32, #tpu.memory_space<vmem>> -> memref<128xi32, #tpu.memory_space<vmem>>
      %dma_wait3A_254 = arith.constant 0 : i32
      %dma_wait3A_255 = tpu.memref_slice %arg2[%dma_wait3A_254] : memref<83200000xf32, #tpu.memory_space<hbm>> -> memref<83200000xf32, #tpu.memory_space<hbm>>
      tpu.wait_indirect_dma semaphore(%arg9 : memref<!tpu.dma_semaphore, #tpu.memory_space<semaphore_mem>>) src(%dma_wait3A_255 : memref<83200000xf32, #tpu.memory_space<hbm>>) dst(%dma_wait3A_251 : memref<128xf32, #tpu.memory_space<vmem>>)
      %dma_wait3A_256 = arith.constant 640 : i32
      %dma_wait3A_257 = tpu.memref_slice %arg8[%dma_wait3A_256] : memref<4096xf32, #tpu.memory_space<vmem>> -> memref<128xf32, #tpu.memory_space<vmem>>
      %dma_wait3A_258 = arith.constant 640 : i32
      %dma_wait3A_259 = tpu.memref_slice %arg7[%dma_wait3A_258] : memref<4096xi32, #tpu.memory_space<vmem>> -> memref<128xi32, #tpu.memory_space<vmem>>
      %dma_wait3A_260 = arith.constant 0 : i32
      %dma_wait3A_261 = tpu.memref_slice %arg2[%dma_wait3A_260] : memref<83200000xf32, #tpu.memory_space<hbm>> -> memref<83200000xf32, #tpu.memory_space<hbm>>
      tpu.wait_indirect_dma semaphore(%arg9 : memref<!tpu.dma_semaphore, #tpu.memory_space<semaphore_mem>>) src(%dma_wait3A_261 : memref<83200000xf32, #tpu.memory_space<hbm>>) dst(%dma_wait3A_257 : memref<128xf32, #tpu.memory_space<vmem>>)
      %dma_wait3A_262 = arith.constant 768 : i32
      %dma_wait3A_263 = tpu.memref_slice %arg8[%dma_wait3A_262] : memref<4096xf32, #tpu.memory_space<vmem>> -> memref<128xf32, #tpu.memory_space<vmem>>
      %dma_wait3A_264 = arith.constant 768 : i32
      %dma_wait3A_265 = tpu.memref_slice %arg7[%dma_wait3A_264] : memref<4096xi32, #tpu.memory_space<vmem>> -> memref<128xi32, #tpu.memory_space<vmem>>
      %dma_wait3A_266 = arith.constant 0 : i32
      %dma_wait3A_267 = tpu.memref_slice %arg2[%dma_wait3A_266] : memref<83200000xf32, #tpu.memory_space<hbm>> -> memref<83200000xf32, #tpu.memory_space<hbm>>
      tpu.wait_indirect_dma semaphore(%arg9 : memref<!tpu.dma_semaphore, #tpu.memory_space<semaphore_mem>>) src(%dma_wait3A_267 : memref<83200000xf32, #tpu.memory_space<hbm>>) dst(%dma_wait3A_263 : memref<128xf32, #tpu.memory_space<vmem>>)
      %dma_wait3A_268 = arith.constant 896 : i32
      %dma_wait3A_269 = tpu.memref_slice %arg8[%dma_wait3A_268] : memref<4096xf32, #tpu.memory_space<vmem>> -> memref<128xf32, #tpu.memory_space<vmem>>
      %dma_wait3A_270 = arith.constant 896 : i32
      %dma_wait3A_271 = tpu.memref_slice %arg7[%dma_wait3A_270] : memref<4096xi32, #tpu.memory_space<vmem>> -> memref<128xi32, #tpu.memory_space<vmem>>
      %dma_wait3A_272 = arith.constant 0 : i32
      %dma_wait3A_273 = tpu.memref_slice %arg2[%dma_wait3A_272] : memref<83200000xf32, #tpu.memory_space<hbm>> -> memref<83200000xf32, #tpu.memory_space<hbm>>
      tpu.wait_indirect_dma semaphore(%arg9 : memref<!tpu.dma_semaphore, #tpu.memory_space<semaphore_mem>>) src(%dma_wait3A_273 : memref<83200000xf32, #tpu.memory_space<hbm>>) dst(%dma_wait3A_269 : memref<128xf32, #tpu.memory_space<vmem>>)
      %dma_wait3A_274 = arith.constant 1024 : i32
      %dma_wait3A_275 = tpu.memref_slice %arg8[%dma_wait3A_274] : memref<4096xf32, #tpu.memory_space<vmem>> -> memref<128xf32, #tpu.memory_space<vmem>>
      %dma_wait3A_276 = arith.constant 1024 : i32
      %dma_wait3A_277 = tpu.memref_slice %arg7[%dma_wait3A_276] : memref<4096xi32, #tpu.memory_space<vmem>> -> memref<128xi32, #tpu.memory_space<vmem>>
      %dma_wait3A_278 = arith.constant 0 : i32
      %dma_wait3A_279 = tpu.memref_slice %arg2[%dma_wait3A_278] : memref<83200000xf32, #tpu.memory_space<hbm>> -> memref<83200000xf32, #tpu.memory_space<hbm>>
      tpu.wait_indirect_dma semaphore(%arg9 : memref<!tpu.dma_semaphore, #tpu.memory_space<semaphore_mem>>) src(%dma_wait3A_279 : memref<83200000xf32, #tpu.memory_space<hbm>>) dst(%dma_wait3A_275 : memref<128xf32, #tpu.memory_space<vmem>>)
      %dma_wait3A_280 = arith.constant 1152 : i32
      %dma_wait3A_281 = tpu.memref_slice %arg8[%dma_wait3A_280] : memref<4096xf32, #tpu.memory_space<vmem>> -> memref<128xf32, #tpu.memory_space<vmem>>
      %dma_wait3A_282 = arith.constant 1152 : i32
      %dma_wait3A_283 = tpu.memref_slice %arg7[%dma_wait3A_282] : memref<4096xi32, #tpu.memory_space<vmem>> -> memref<128xi32, #tpu.memory_space<vmem>>
      %dma_wait3A_284 = arith.constant 0 : i32
      %dma_wait3A_285 = tpu.memref_slice %arg2[%dma_wait3A_284] : memref<83200000xf32, #tpu.memory_space<hbm>> -> memref<83200000xf32, #tpu.memory_space<hbm>>
      tpu.wait_indirect_dma semaphore(%arg9 : memref<!tpu.dma_semaphore, #tpu.memory_space<semaphore_mem>>) src(%dma_wait3A_285 : memref<83200000xf32, #tpu.memory_space<hbm>>) dst(%dma_wait3A_281 : memref<128xf32, #tpu.memory_space<vmem>>)
      %dma_wait3A_286 = arith.constant 1280 : i32
      %dma_wait3A_287 = tpu.memref_slice %arg8[%dma_wait3A_286] : memref<4096xf32, #tpu.memory_space<vmem>> -> memref<128xf32, #tpu.memory_space<vmem>>
      %dma_wait3A_288 = arith.constant 1280 : i32
      %dma_wait3A_289 = tpu.memref_slice %arg7[%dma_wait3A_288] : memref<4096xi32, #tpu.memory_space<vmem>> -> memref<128xi32, #tpu.memory_space<vmem>>
      %dma_wait3A_290 = arith.constant 0 : i32
      %dma_wait3A_291 = tpu.memref_slice %arg2[%dma_wait3A_290] : memref<83200000xf32, #tpu.memory_space<hbm>> -> memref<83200000xf32, #tpu.memory_space<hbm>>
      tpu.wait_indirect_dma semaphore(%arg9 : memref<!tpu.dma_semaphore, #tpu.memory_space<semaphore_mem>>) src(%dma_wait3A_291 : memref<83200000xf32, #tpu.memory_space<hbm>>) dst(%dma_wait3A_287 : memref<128xf32, #tpu.memory_space<vmem>>)
      %dma_wait3A_292 = arith.constant 1408 : i32
      %dma_wait3A_293 = tpu.memref_slice %arg8[%dma_wait3A_292] : memref<4096xf32, #tpu.memory_space<vmem>> -> memref<128xf32, #tpu.memory_space<vmem>>
      %dma_wait3A_294 = arith.constant 1408 : i32
      %dma_wait3A_295 = tpu.memref_slice %arg7[%dma_wait3A_294] : memref<4096xi32, #tpu.memory_space<vmem>> -> memref<128xi32, #tpu.memory_space<vmem>>
      %dma_wait3A_296 = arith.constant 0 : i32
      %dma_wait3A_297 = tpu.memref_slice %arg2[%dma_wait3A_296] : memref<83200000xf32, #tpu.memory_space<hbm>> -> memref<83200000xf32, #tpu.memory_space<hbm>>
      tpu.wait_indirect_dma semaphore(%arg9 : memref<!tpu.dma_semaphore, #tpu.memory_space<semaphore_mem>>) src(%dma_wait3A_297 : memref<83200000xf32, #tpu.memory_space<hbm>>) dst(%dma_wait3A_293 : memref<128xf32, #tpu.memory_space<vmem>>)
      %dma_wait3A_298 = arith.constant 1536 : i32
      %dma_wait3A_299 = tpu.memref_slice %arg8[%dma_wait3A_298] : memref<4096xf32, #tpu.memory_space<vmem>> -> memref<128xf32, #tpu.memory_space<vmem>>
      %dma_wait3A_300 = arith.constant 1536 : i32
      %dma_wait3A_301 = tpu.memref_slice %arg7[%dma_wait3A_300] : memref<4096xi32, #tpu.memory_space<vmem>> -> memref<128xi32, #tpu.memory_space<vmem>>
      %dma_wait3A_302 = arith.constant 0 : i32
      %dma_wait3A_303 = tpu.memref_slice %arg2[%dma_wait3A_302] : memref<83200000xf32, #tpu.memory_space<hbm>> -> memref<83200000xf32, #tpu.memory_space<hbm>>
      tpu.wait_indirect_dma semaphore(%arg9 : memref<!tpu.dma_semaphore, #tpu.memory_space<semaphore_mem>>) src(%dma_wait3A_303 : memref<83200000xf32, #tpu.memory_space<hbm>>) dst(%dma_wait3A_299 : memref<128xf32, #tpu.memory_space<vmem>>)
      %dma_wait3A_304 = arith.constant 1664 : i32
      %dma_wait3A_305 = tpu.memref_slice %arg8[%dma_wait3A_304] : memref<4096xf32, #tpu.memory_space<vmem>> -> memref<128xf32, #tpu.memory_space<vmem>>
      %dma_wait3A_306 = arith.constant 1664 : i32
      %dma_wait3A_307 = tpu.memref_slice %arg7[%dma_wait3A_306] : memref<4096xi32, #tpu.memory_space<vmem>> -> memref<128xi32, #tpu.memory_space<vmem>>
      %dma_wait3A_308 = arith.constant 0 : i32
      %dma_wait3A_309 = tpu.memref_slice %arg2[%dma_wait3A_308] : memref<83200000xf32, #tpu.memory_space<hbm>> -> memref<83200000xf32, #tpu.memory_space<hbm>>
      tpu.wait_indirect_dma semaphore(%arg9 : memref<!tpu.dma_semaphore, #tpu.memory_space<semaphore_mem>>) src(%dma_wait3A_309 : memref<83200000xf32, #tpu.memory_space<hbm>>) dst(%dma_wait3A_305 : memref<128xf32, #tpu.memory_space<vmem>>)
      %dma_wait3A_310 = arith.constant 1792 : i32
      %dma_wait3A_311 = tpu.memref_slice %arg8[%dma_wait3A_310] : memref<4096xf32, #tpu.memory_space<vmem>> -> memref<128xf32, #tpu.memory_space<vmem>>
      %dma_wait3A_312 = arith.constant 1792 : i32
      %dma_wait3A_313 = tpu.memref_slice %arg7[%dma_wait3A_312] : memref<4096xi32, #tpu.memory_space<vmem>> -> memref<128xi32, #tpu.memory_space<vmem>>
      %dma_wait3A_314 = arith.constant 0 : i32
      %dma_wait3A_315 = tpu.memref_slice %arg2[%dma_wait3A_314] : memref<83200000xf32, #tpu.memory_space<hbm>> -> memref<83200000xf32, #tpu.memory_space<hbm>>
      tpu.wait_indirect_dma semaphore(%arg9 : memref<!tpu.dma_semaphore, #tpu.memory_space<semaphore_mem>>) src(%dma_wait3A_315 : memref<83200000xf32, #tpu.memory_space<hbm>>) dst(%dma_wait3A_311 : memref<128xf32, #tpu.memory_space<vmem>>)
      %dma_wait3A_316 = arith.constant 1920 : i32
      %dma_wait3A_317 = tpu.memref_slice %arg8[%dma_wait3A_316] : memref<4096xf32, #tpu.memory_space<vmem>> -> memref<128xf32, #tpu.memory_space<vmem>>
      %dma_wait3A_318 = arith.constant 1920 : i32
      %dma_wait3A_319 = tpu.memref_slice %arg7[%dma_wait3A_318] : memref<4096xi32, #tpu.memory_space<vmem>> -> memref<128xi32, #tpu.memory_space<vmem>>
      %dma_wait3A_320 = arith.constant 0 : i32
      %dma_wait3A_321 = tpu.memref_slice %arg2[%dma_wait3A_320] : memref<83200000xf32, #tpu.memory_space<hbm>> -> memref<83200000xf32, #tpu.memory_space<hbm>>
      tpu.wait_indirect_dma semaphore(%arg9 : memref<!tpu.dma_semaphore, #tpu.memory_space<semaphore_mem>>) src(%dma_wait3A_321 : memref<83200000xf32, #tpu.memory_space<hbm>>) dst(%dma_wait3A_317 : memref<128xf32, #tpu.memory_space<vmem>>)
      %dma_wait3A_322 = arith.constant 2048 : i32
      %dma_wait3A_323 = tpu.memref_slice %arg8[%dma_wait3A_322] : memref<4096xf32, #tpu.memory_space<vmem>> -> memref<128xf32, #tpu.memory_space<vmem>>
      %dma_wait3A_324 = arith.constant 2048 : i32
      %dma_wait3A_325 = tpu.memref_slice %arg7[%dma_wait3A_324] : memref<4096xi32, #tpu.memory_space<vmem>> -> memref<128xi32, #tpu.memory_space<vmem>>
      %dma_wait3A_326 = arith.constant 0 : i32
      %dma_wait3A_327 = tpu.memref_slice %arg2[%dma_wait3A_326] : memref<83200000xf32, #tpu.memory_space<hbm>> -> memref<83200000xf32, #tpu.memory_space<hbm>>
      tpu.wait_indirect_dma semaphore(%arg9 : memref<!tpu.dma_semaphore, #tpu.memory_space<semaphore_mem>>) src(%dma_wait3A_327 : memref<83200000xf32, #tpu.memory_space<hbm>>) dst(%dma_wait3A_323 : memref<128xf32, #tpu.memory_space<vmem>>)
      %dma_wait3A_328 = arith.constant 2176 : i32
      %dma_wait3A_329 = tpu.memref_slice %arg8[%dma_wait3A_328] : memref<4096xf32, #tpu.memory_space<vmem>> -> memref<128xf32, #tpu.memory_space<vmem>>
      %dma_wait3A_330 = arith.constant 2176 : i32
      %dma_wait3A_331 = tpu.memref_slice %arg7[%dma_wait3A_330] : memref<4096xi32, #tpu.memory_space<vmem>> -> memref<128xi32, #tpu.memory_space<vmem>>
      %dma_wait3A_332 = arith.constant 0 : i32
      %dma_wait3A_333 = tpu.memref_slice %arg2[%dma_wait3A_332] : memref<83200000xf32, #tpu.memory_space<hbm>> -> memref<83200000xf32, #tpu.memory_space<hbm>>
      tpu.wait_indirect_dma semaphore(%arg9 : memref<!tpu.dma_semaphore, #tpu.memory_space<semaphore_mem>>) src(%dma_wait3A_333 : memref<83200000xf32, #tpu.memory_space<hbm>>) dst(%dma_wait3A_329 : memref<128xf32, #tpu.memory_space<vmem>>)
      %dma_wait3A_334 = arith.constant 2304 : i32
      %dma_wait3A_335 = tpu.memref_slice %arg8[%dma_wait3A_334] : memref<4096xf32, #tpu.memory_space<vmem>> -> memref<128xf32, #tpu.memory_space<vmem>>
      %dma_wait3A_336 = arith.constant 2304 : i32
      %dma_wait3A_337 = tpu.memref_slice %arg7[%dma_wait3A_336] : memref<4096xi32, #tpu.memory_space<vmem>> -> memref<128xi32, #tpu.memory_space<vmem>>
      %dma_wait3A_338 = arith.constant 0 : i32
      %dma_wait3A_339 = tpu.memref_slice %arg2[%dma_wait3A_338] : memref<83200000xf32, #tpu.memory_space<hbm>> -> memref<83200000xf32, #tpu.memory_space<hbm>>
      tpu.wait_indirect_dma semaphore(%arg9 : memref<!tpu.dma_semaphore, #tpu.memory_space<semaphore_mem>>) src(%dma_wait3A_339 : memref<83200000xf32, #tpu.memory_space<hbm>>) dst(%dma_wait3A_335 : memref<128xf32, #tpu.memory_space<vmem>>)
      %dma_wait3A_340 = arith.constant 2432 : i32
      %dma_wait3A_341 = tpu.memref_slice %arg8[%dma_wait3A_340] : memref<4096xf32, #tpu.memory_space<vmem>> -> memref<128xf32, #tpu.memory_space<vmem>>
      %dma_wait3A_342 = arith.constant 2432 : i32
      %dma_wait3A_343 = tpu.memref_slice %arg7[%dma_wait3A_342] : memref<4096xi32, #tpu.memory_space<vmem>> -> memref<128xi32, #tpu.memory_space<vmem>>
      %dma_wait3A_344 = arith.constant 0 : i32
      %dma_wait3A_345 = tpu.memref_slice %arg2[%dma_wait3A_344] : memref<83200000xf32, #tpu.memory_space<hbm>> -> memref<83200000xf32, #tpu.memory_space<hbm>>
      tpu.wait_indirect_dma semaphore(%arg9 : memref<!tpu.dma_semaphore, #tpu.memory_space<semaphore_mem>>) src(%dma_wait3A_345 : memref<83200000xf32, #tpu.memory_space<hbm>>) dst(%dma_wait3A_341 : memref<128xf32, #tpu.memory_space<vmem>>)
      %dma_wait3A_346 = arith.constant 2560 : i32
      %dma_wait3A_347 = tpu.memref_slice %arg8[%dma_wait3A_346] : memref<4096xf32, #tpu.memory_space<vmem>> -> memref<128xf32, #tpu.memory_space<vmem>>
      %dma_wait3A_348 = arith.constant 2560 : i32
      %dma_wait3A_349 = tpu.memref_slice %arg7[%dma_wait3A_348] : memref<4096xi32, #tpu.memory_space<vmem>> -> memref<128xi32, #tpu.memory_space<vmem>>
      %dma_wait3A_350 = arith.constant 0 : i32
      %dma_wait3A_351 = tpu.memref_slice %arg2[%dma_wait3A_350] : memref<83200000xf32, #tpu.memory_space<hbm>> -> memref<83200000xf32, #tpu.memory_space<hbm>>
      tpu.wait_indirect_dma semaphore(%arg9 : memref<!tpu.dma_semaphore, #tpu.memory_space<semaphore_mem>>) src(%dma_wait3A_351 : memref<83200000xf32, #tpu.memory_space<hbm>>) dst(%dma_wait3A_347 : memref<128xf32, #tpu.memory_space<vmem>>)
      %dma_wait3A_352 = arith.constant 2688 : i32
      %dma_wait3A_353 = tpu.memref_slice %arg8[%dma_wait3A_352] : memref<4096xf32, #tpu.memory_space<vmem>> -> memref<128xf32, #tpu.memory_space<vmem>>
      %dma_wait3A_354 = arith.constant 2688 : i32
      %dma_wait3A_355 = tpu.memref_slice %arg7[%dma_wait3A_354] : memref<4096xi32, #tpu.memory_space<vmem>> -> memref<128xi32, #tpu.memory_space<vmem>>
      %dma_wait3A_356 = arith.constant 0 : i32
      %dma_wait3A_357 = tpu.memref_slice %arg2[%dma_wait3A_356] : memref<83200000xf32, #tpu.memory_space<hbm>> -> memref<83200000xf32, #tpu.memory_space<hbm>>
      tpu.wait_indirect_dma semaphore(%arg9 : memref<!tpu.dma_semaphore, #tpu.memory_space<semaphore_mem>>) src(%dma_wait3A_357 : memref<83200000xf32, #tpu.memory_space<hbm>>) dst(%dma_wait3A_353 : memref<128xf32, #tpu.memory_space<vmem>>)
      %dma_wait3A_358 = arith.constant 2816 : i32
      %dma_wait3A_359 = tpu.memref_slice %arg8[%dma_wait3A_358] : memref<4096xf32, #tpu.memory_space<vmem>> -> memref<128xf32, #tpu.memory_space<vmem>>
      %dma_wait3A_360 = arith.constant 2816 : i32
      %dma_wait3A_361 = tpu.memref_slice %arg7[%dma_wait3A_360] : memref<4096xi32, #tpu.memory_space<vmem>> -> memref<128xi32, #tpu.memory_space<vmem>>
      %dma_wait3A_362 = arith.constant 0 : i32
      %dma_wait3A_363 = tpu.memref_slice %arg2[%dma_wait3A_362] : memref<83200000xf32, #tpu.memory_space<hbm>> -> memref<83200000xf32, #tpu.memory_space<hbm>>
      tpu.wait_indirect_dma semaphore(%arg9 : memref<!tpu.dma_semaphore, #tpu.memory_space<semaphore_mem>>) src(%dma_wait3A_363 : memref<83200000xf32, #tpu.memory_space<hbm>>) dst(%dma_wait3A_359 : memref<128xf32, #tpu.memory_space<vmem>>)
      %dma_wait3A_364 = arith.constant 2944 : i32
      %dma_wait3A_365 = tpu.memref_slice %arg8[%dma_wait3A_364] : memref<4096xf32, #tpu.memory_space<vmem>> -> memref<128xf32, #tpu.memory_space<vmem>>
      %dma_wait3A_366 = arith.constant 2944 : i32
      %dma_wait3A_367 = tpu.memref_slice %arg7[%dma_wait3A_366] : memref<4096xi32, #tpu.memory_space<vmem>> -> memref<128xi32, #tpu.memory_space<vmem>>
      %dma_wait3A_368 = arith.constant 0 : i32
      %dma_wait3A_369 = tpu.memref_slice %arg2[%dma_wait3A_368] : memref<83200000xf32, #tpu.memory_space<hbm>> -> memref<83200000xf32, #tpu.memory_space<hbm>>
      tpu.wait_indirect_dma semaphore(%arg9 : memref<!tpu.dma_semaphore, #tpu.memory_space<semaphore_mem>>) src(%dma_wait3A_369 : memref<83200000xf32, #tpu.memory_space<hbm>>) dst(%dma_wait3A_365 : memref<128xf32, #tpu.memory_space<vmem>>)
      %dma_wait3A_370 = arith.constant 3072 : i32
      %dma_wait3A_371 = tpu.memref_slice %arg8[%dma_wait3A_370] : memref<4096xf32, #tpu.memory_space<vmem>> -> memref<128xf32, #tpu.memory_space<vmem>>
      %dma_wait3A_372 = arith.constant 3072 : i32
      %dma_wait3A_373 = tpu.memref_slice %arg7[%dma_wait3A_372] : memref<4096xi32, #tpu.memory_space<vmem>> -> memref<128xi32, #tpu.memory_space<vmem>>
      %dma_wait3A_374 = arith.constant 0 : i32
      %dma_wait3A_375 = tpu.memref_slice %arg2[%dma_wait3A_374] : memref<83200000xf32, #tpu.memory_space<hbm>> -> memref<83200000xf32, #tpu.memory_space<hbm>>
      tpu.wait_indirect_dma semaphore(%arg9 : memref<!tpu.dma_semaphore, #tpu.memory_space<semaphore_mem>>) src(%dma_wait3A_375 : memref<83200000xf32, #tpu.memory_space<hbm>>) dst(%dma_wait3A_371 : memref<128xf32, #tpu.memory_space<vmem>>)
      %dma_wait3A_376 = arith.constant 3200 : i32
      %dma_wait3A_377 = tpu.memref_slice %arg8[%dma_wait3A_376] : memref<4096xf32, #tpu.memory_space<vmem>> -> memref<128xf32, #tpu.memory_space<vmem>>
      %dma_wait3A_378 = arith.constant 3200 : i32
      %dma_wait3A_379 = tpu.memref_slice %arg7[%dma_wait3A_378] : memref<4096xi32, #tpu.memory_space<vmem>> -> memref<128xi32, #tpu.memory_space<vmem>>
      %dma_wait3A_380 = arith.constant 0 : i32
      %dma_wait3A_381 = tpu.memref_slice %arg2[%dma_wait3A_380] : memref<83200000xf32, #tpu.memory_space<hbm>> -> memref<83200000xf32, #tpu.memory_space<hbm>>
      tpu.wait_indirect_dma semaphore(%arg9 : memref<!tpu.dma_semaphore, #tpu.memory_space<semaphore_mem>>) src(%dma_wait3A_381 : memref<83200000xf32, #tpu.memory_space<hbm>>) dst(%dma_wait3A_377 : memref<128xf32, #tpu.memory_space<vmem>>)
      %dma_wait3A_382 = arith.constant 3328 : i32
      %dma_wait3A_383 = tpu.memref_slice %arg8[%dma_wait3A_382] : memref<4096xf32, #tpu.memory_space<vmem>> -> memref<128xf32, #tpu.memory_space<vmem>>
      %dma_wait3A_384 = arith.constant 3328 : i32
      %dma_wait3A_385 = tpu.memref_slice %arg7[%dma_wait3A_384] : memref<4096xi32, #tpu.memory_space<vmem>> -> memref<128xi32, #tpu.memory_space<vmem>>
      %dma_wait3A_386 = arith.constant 0 : i32
      %dma_wait3A_387 = tpu.memref_slice %arg2[%dma_wait3A_386] : memref<83200000xf32, #tpu.memory_space<hbm>> -> memref<83200000xf32, #tpu.memory_space<hbm>>
      tpu.wait_indirect_dma semaphore(%arg9 : memref<!tpu.dma_semaphore, #tpu.memory_space<semaphore_mem>>) src(%dma_wait3A_387 : memref<83200000xf32, #tpu.memory_space<hbm>>) dst(%dma_wait3A_383 : memref<128xf32, #tpu.memory_space<vmem>>)
      %dma_wait3A_388 = arith.constant 3456 : i32
      %dma_wait3A_389 = tpu.memref_slice %arg8[%dma_wait3A_388] : memref<4096xf32, #tpu.memory_space<vmem>> -> memref<128xf32, #tpu.memory_space<vmem>>
      %dma_wait3A_390 = arith.constant 3456 : i32
      %dma_wait3A_391 = tpu.memref_slice %arg7[%dma_wait3A_390] : memref<4096xi32, #tpu.memory_space<vmem>> -> memref<128xi32, #tpu.memory_space<vmem>>
      %dma_wait3A_392 = arith.constant 0 : i32
      %dma_wait3A_393 = tpu.memref_slice %arg2[%dma_wait3A_392] : memref<83200000xf32, #tpu.memory_space<hbm>> -> memref<83200000xf32, #tpu.memory_space<hbm>>
      tpu.wait_indirect_dma semaphore(%arg9 : memref<!tpu.dma_semaphore, #tpu.memory_space<semaphore_mem>>) src(%dma_wait3A_393 : memref<83200000xf32, #tpu.memory_space<hbm>>) dst(%dma_wait3A_389 : memref<128xf32, #tpu.memory_space<vmem>>)
      %dma_wait3A_394 = arith.constant 3584 : i32
      %dma_wait3A_395 = tpu.memref_slice %arg8[%dma_wait3A_394] : memref<4096xf32, #tpu.memory_space<vmem>> -> memref<128xf32, #tpu.memory_space<vmem>>
      %dma_wait3A_396 = arith.constant 3584 : i32
      %dma_wait3A_397 = tpu.memref_slice %arg7[%dma_wait3A_396] : memref<4096xi32, #tpu.memory_space<vmem>> -> memref<128xi32, #tpu.memory_space<vmem>>
      %dma_wait3A_398 = arith.constant 0 : i32
      %dma_wait3A_399 = tpu.memref_slice %arg2[%dma_wait3A_398] : memref<83200000xf32, #tpu.memory_space<hbm>> -> memref<83200000xf32, #tpu.memory_space<hbm>>
      tpu.wait_indirect_dma semaphore(%arg9 : memref<!tpu.dma_semaphore, #tpu.memory_space<semaphore_mem>>) src(%dma_wait3A_399 : memref<83200000xf32, #tpu.memory_space<hbm>>) dst(%dma_wait3A_395 : memref<128xf32, #tpu.memory_space<vmem>>)
      %dma_wait3A_400 = arith.constant 3712 : i32
      %dma_wait3A_401 = tpu.memref_slice %arg8[%dma_wait3A_400] : memref<4096xf32, #tpu.memory_space<vmem>> -> memref<128xf32, #tpu.memory_space<vmem>>
      %dma_wait3A_402 = arith.constant 3712 : i32
      %dma_wait3A_403 = tpu.memref_slice %arg7[%dma_wait3A_402] : memref<4096xi32, #tpu.memory_space<vmem>> -> memref<128xi32, #tpu.memory_space<vmem>>
      %dma_wait3A_404 = arith.constant 0 : i32
      %dma_wait3A_405 = tpu.memref_slice %arg2[%dma_wait3A_404] : memref<83200000xf32, #tpu.memory_space<hbm>> -> memref<83200000xf32, #tpu.memory_space<hbm>>
      tpu.wait_indirect_dma semaphore(%arg9 : memref<!tpu.dma_semaphore, #tpu.memory_space<semaphore_mem>>) src(%dma_wait3A_405 : memref<83200000xf32, #tpu.memory_space<hbm>>) dst(%dma_wait3A_401 : memref<128xf32, #tpu.memory_space<vmem>>)
      %dma_wait3A_406 = arith.constant 3840 : i32
      %dma_wait3A_407 = tpu.memref_slice %arg8[%dma_wait3A_406] : memref<4096xf32, #tpu.memory_space<vmem>> -> memref<128xf32, #tpu.memory_space<vmem>>
      %dma_wait3A_408 = arith.constant 3840 : i32
      %dma_wait3A_409 = tpu.memref_slice %arg7[%dma_wait3A_408] : memref<4096xi32, #tpu.memory_space<vmem>> -> memref<128xi32, #tpu.memory_space<vmem>>
      %dma_wait3A_410 = arith.constant 0 : i32
      %dma_wait3A_411 = tpu.memref_slice %arg2[%dma_wait3A_410] : memref<83200000xf32, #tpu.memory_space<hbm>> -> memref<83200000xf32, #tpu.memory_space<hbm>>
      tpu.wait_indirect_dma semaphore(%arg9 : memref<!tpu.dma_semaphore, #tpu.memory_space<semaphore_mem>>) src(%dma_wait3A_411 : memref<83200000xf32, #tpu.memory_space<hbm>>) dst(%dma_wait3A_407 : memref<128xf32, #tpu.memory_space<vmem>>)
      %dma_wait3A_412 = arith.constant 3968 : i32
      %dma_wait3A_413 = tpu.memref_slice %arg8[%dma_wait3A_412] : memref<4096xf32, #tpu.memory_space<vmem>> -> memref<128xf32, #tpu.memory_space<vmem>>
      %dma_wait3A_414 = arith.constant 3968 : i32
      %dma_wait3A_415 = tpu.memref_slice %arg7[%dma_wait3A_414] : memref<4096xi32, #tpu.memory_space<vmem>> -> memref<128xi32, #tpu.memory_space<vmem>>
      %dma_wait3A_416 = arith.constant 0 : i32
      %dma_wait3A_417 = tpu.memref_slice %arg2[%dma_wait3A_416] : memref<83200000xf32, #tpu.memory_space<hbm>> -> memref<83200000xf32, #tpu.memory_space<hbm>>
      tpu.wait_indirect_dma semaphore(%arg9 : memref<!tpu.dma_semaphore, #tpu.memory_space<semaphore_mem>>) src(%dma_wait3A_417 : memref<83200000xf32, #tpu.memory_space<hbm>>) dst(%dma_wait3A_413 : memref<128xf32, #tpu.memory_space<vmem>>)
      "tpu.region"() ({
        %run_scoped3A = tpu.sem_alloc : memref<!tpu.dma_semaphore, #tpu.memory_space<semaphore_mem>>
        %dma_start3A_418 = arith.constant 0 : i32
        %dma_start3A_419 = tpu.memref_slice %arg5[%add3A_11, %dma_start3A_418] : memref<832x4096xf32, #tpu.memory_space<hbm>> -> memref<1x4096xf32, #tpu.memory_space<hbm>>
        %dma_start3A_420 = tpu.memref_squeeze %dma_start3A_419 : memref<1x4096xf32, #tpu.memory_space<hbm>> -> memref<4096xf32, #tpu.memory_space<hbm>>
        %dma_start3A_421 = arith.constant 0 : i32
        %dma_start3A_422 = tpu.memref_slice %arg5[%add3A_11, %dma_start3A_421] : memref<832x4096xf32, #tpu.memory_space<hbm>> -> memref<1x4096xf32, #tpu.memory_space<hbm>>
        %dma_start3A_423 = tpu.memref_squeeze %dma_start3A_422 : memref<1x4096xf32, #tpu.memory_space<hbm>> -> memref<4096xf32, #tpu.memory_space<hbm>>
        tpu.enqueue_dma source(%arg8 : memref<4096xf32, #tpu.memory_space<vmem>>) target(%dma_start3A_423 : memref<4096xf32, #tpu.memory_space<hbm>>) target_semaphore(%run_scoped3A : memref<!tpu.dma_semaphore, #tpu.memory_space<semaphore_mem>>)
        %dma_wait3A_424 = arith.constant 0 : i32
        %dma_wait3A_425 = tpu.memref_slice %arg5[%add3A_11, %dma_wait3A_424] : memref<832x4096xf32, #tpu.memory_space<hbm>> -> memref<1x4096xf32, #tpu.memory_space<hbm>>
        %dma_wait3A_426 = tpu.memref_squeeze %dma_wait3A_425 : memref<1x4096xf32, #tpu.memory_space<hbm>> -> memref<4096xf32, #tpu.memory_space<hbm>>
        %dma_wait3A_427 = arith.constant 0 : i32
        %dma_wait3A_428 = tpu.memref_slice %arg5[%add3A_11, %dma_wait3A_427] : memref<832x4096xf32, #tpu.memory_space<hbm>> -> memref<1x4096xf32, #tpu.memory_space<hbm>>
        %dma_wait3A_429 = tpu.memref_squeeze %dma_wait3A_428 : memref<1x4096xf32, #tpu.memory_space<hbm>> -> memref<4096xf32, #tpu.memory_space<hbm>>
        tpu.wait_dma2 semaphore(%run_scoped3A : memref<!tpu.dma_semaphore, #tpu.memory_space<semaphore_mem>>) src(%arg8 : memref<4096xf32, #tpu.memory_space<vmem>>) dst(%dma_wait3A_429 : memref<4096xf32, #tpu.memory_space<hbm>>)
        tpu.yield
      }) : () -> ()
    }
    %scan3A_7 = arith.constant 26 : i32
    return
  }
}

module attributes {stable_mosaic.version = 14 : i64} {
  func.func @_tc1_body(%arg0: i32, %arg1: memref<832x512xf32, #tpu.memory_space<vmem>>, %arg2: memref<26x512xf32, #tpu.memory_space<vmem>>, %arg3: memref<26x512xf32, #tpu.memory_space<vmem>>, %arg4: memref<512x832xf32, #tpu.memory_space<vmem>>, %arg5: memref<512x1xf32, #tpu.memory_space<vmem>>, %arg6: memref<512x512xf32, #tpu.memory_space<vmem>>, %arg7: memref<1x512xf32, #tpu.memory_space<vmem>>, %arg8: memref<512x1xf32, #tpu.memory_space<vmem>>, %arg9: memref<512x1xf32, #tpu.memory_space<vmem>>) attributes {dimension_semantics = [#tpu.dimension_semantics<arbitrary>], iteration_bounds = array<i64: 8>, scalar_prefetch = 0 : i64, scratch_operands = 0 : i64, tpu.core_type = #tpu.core_type<tc>, window_params = [{transform_indices = @transform_0, window_bounds = array<i64: 832, 512>}, {transform_indices = @transform_1, window_bounds = array<i64: 26, 512>}, {transform_indices = @transform_2, window_bounds = array<i64: 26, 512>}, {pipeline_mode = #tpu.pipeline_mode<synchronous>, transform_indices = @transform_3, window_bounds = array<i64: 512, 832>}, {pipeline_mode = #tpu.pipeline_mode<synchronous>, transform_indices = @transform_4, window_bounds = array<i64: 512, 1>}, {transform_indices = @transform_5, window_bounds = array<i64: 512, 512>}, {transform_indices = @transform_6, window_bounds = array<i64: 1, 512>}, {pipeline_mode = #tpu.pipeline_mode<synchronous>, transform_indices = @transform_7, window_bounds = array<i64: 512, 1>}, {pipeline_mode = #tpu.pipeline_mode<synchronous>, transform_indices = @transform_8, window_bounds = array<i64: 512, 1>}]} {
    %get3A = arith.constant 0 : index
    %get3A_0 = arith.constant 0 : index
    %get3A_1 = vector.load %arg3[%get3A, %get3A_0] : memref<26x512xf32, #tpu.memory_space<vmem>>, vector<26x512xf32>
    %iota3A = tpu.iota {dimensions = array<i32: 0>} : vector<832x26xi32>
    %iota3A_2 = tpu.iota {dimensions = array<i32: 1>} : vector<832x26xi32>
    %jit3A = arith.constant 32 : i32
    %div3A = vector.broadcast %jit3A : i32 to vector<832x26xi32>
    %div3A_3 = arith.divsi %iota3A, %div3A : vector<832x26xi32>
    %sign3A = arith.constant 0 : i32
    %sign3A_4 = vector.broadcast %sign3A : i32 to vector<832x26xi32>
    %sign3A_5 = arith.cmpi sgt, %iota3A, %sign3A_4 : vector<832x26xi32>
    %sign3A_6 = arith.extui %sign3A_5 : vector<832x26xi1> to vector<832x26xi32>
    %sign3A_7 = arith.constant 0 : i32
    %sign3A_8 = vector.broadcast %sign3A_7 : i32 to vector<832x26xi32>
    %sign3A_9 = arith.cmpi slt, %iota3A, %sign3A_8 : vector<832x26xi32>
    %sign3A_10 = arith.extui %sign3A_9 : vector<832x26xi1> to vector<832x26xi32>
    %sign3A_11 = arith.subi %sign3A_6, %sign3A_10 : vector<832x26xi32>
    %sign3A_12 = arith.constant 0 : i32
    %sign3A_13 = arith.cmpi sgt, %jit3A, %sign3A_12 : i32
    %sign3A_14 = arith.extui %sign3A_13 : i1 to i32
    %sign3A_15 = arith.constant 0 : i32
    %sign3A_16 = arith.cmpi slt, %jit3A, %sign3A_15 : i32
    %sign3A_17 = arith.extui %sign3A_16 : i1 to i32
    %sign3A_18 = arith.subi %sign3A_14, %sign3A_17 : i32
    %ne3A = vector.broadcast %sign3A_18 : i32 to vector<832x26xi32>
    %ne3A_19 = arith.cmpi ne, %sign3A_11, %ne3A : vector<832x26xi32>
    %rem3A = vector.broadcast %jit3A : i32 to vector<832x26xi32>
    %rem3A_20 = arith.remsi %iota3A, %rem3A : vector<832x26xi32>
    %ne3A_21 = arith.constant 0 : i32
    %ne3A_22 = vector.broadcast %ne3A_21 : i32 to vector<832x26xi32>
    %ne3A_23 = arith.cmpi ne, %rem3A_20, %ne3A_22 : vector<832x26xi32>
    %and3A = arith.andi %ne3A_19, %ne3A_23 : vector<832x26xi1>
    %sub3A = arith.constant 1 : i32
    %sub3A_24 = vector.broadcast %sub3A : i32 to vector<832x26xi32>
    %sub3A_25 = arith.subi %div3A_3, %sub3A_24 : vector<832x26xi32>
    %select_n3A = arith.select %and3A, %sub3A_25, %div3A_3 : vector<832x26xi1>, vector<832x26xi32>
    %eq3A = arith.cmpi eq, %select_n3A, %iota3A_2 : vector<832x26xi32>
    %convert_element_type3A = arith.extui %eq3A : vector<832x26xi1> to vector<832x26xi32>
    %convert_element_type3A_26 = arith.sitofp %convert_element_type3A : vector<832x26xi32> to vector<832x26xf32>
    %dot_general3A = arith.constant dense<0.000000e+00> : vector<832x512xf32>
    %dot_general3A_27 = tpu.matmul %convert_element_type3A_26, %get3A_1, %dot_general3A {dimension_numbers = #tpu.dot_dimension_numbers<[1], [0], [0], [1], [0, 0, 1, 1], [], []>, precision = #tpu.contract_precision<fp32>, transpose_lhs_hint = false} : vector<832x26xf32>, vector<26x512xf32>, vector<832x512xf32> -> vector<832x512xf32>
    %get3A_28 = arith.constant 0 : index
    %get3A_29 = arith.constant 0 : index
    %get3A_30 = vector.load %arg1[%get3A_28, %get3A_29] : memref<832x512xf32, #tpu.memory_space<vmem>>, vector<832x512xf32>
    %mul3A = arith.mulf %get3A_30, %dot_general3A_27 : vector<832x512xf32>
    %iota3A_31 = tpu.iota {dimensions = array<i32: 0>} : vector<32x832xi32>
    %iota3A_32 = tpu.iota {dimensions = array<i32: 1>} : vector<32x832xi32>
    %jit3A_33 = arith.constant 32 : i32
    %eq3A_34 = arith.constant 0 : i32
    %eq3A_35 = arith.cmpi eq, %jit3A_33, %eq3A_34 : i32
    %jit3A_36 = arith.constant 1 : i32
    %select_n3A_37 = arith.select %eq3A_35, %jit3A_36, %jit3A_33 : i32
    %rem3A_38 = vector.broadcast %select_n3A_37 : i32 to vector<32x832xi32>
    %rem3A_39 = arith.remsi %iota3A_32, %rem3A_38 : vector<32x832xi32>
    %ne3A_40 = arith.constant 0 : i32
    %ne3A_41 = vector.broadcast %ne3A_40 : i32 to vector<32x832xi32>
    %ne3A_42 = arith.cmpi ne, %rem3A_39, %ne3A_41 : vector<32x832xi32>
    %lt3A = arith.constant 0 : i32
    %lt3A_43 = vector.broadcast %lt3A : i32 to vector<32x832xi32>
    %lt3A_44 = arith.cmpi slt, %rem3A_39, %lt3A_43 : vector<32x832xi32>
    %lt3A_45 = arith.constant 0 : i32
    %lt3A_46 = arith.cmpi slt, %select_n3A_37, %lt3A_45 : i32
    %ne3A_47 = vector.broadcast %lt3A_46 : i1 to vector<32x832xi1>
    %ne3A_48 = vector.broadcast %ne3A_47 : vector<32x832xi1> to vector<32x832xi1>
    %ne3A_49 = arith.xori %lt3A_44, %ne3A_48 : vector<32x832xi1>
    %and3A_50 = arith.andi %ne3A_49, %ne3A_42 : vector<32x832xi1>
    %add3A = vector.broadcast %select_n3A_37 : i32 to vector<32x832xi32>
    %add3A_51 = arith.addi %rem3A_39, %add3A : vector<32x832xi32>
    %select_n3A_52 = arith.select %and3A_50, %add3A_51, %rem3A_39 : vector<32x832xi1>, vector<32x832xi32>
    %eq3A_53 = arith.cmpi eq, %select_n3A_52, %iota3A_31 : vector<32x832xi32>
    %convert_element_type3A_54 = arith.extui %eq3A_53 : vector<32x832xi1> to vector<32x832xi32>
    %convert_element_type3A_55 = arith.sitofp %convert_element_type3A_54 : vector<32x832xi32> to vector<32x832xf32>
    %dot_general3A_56 = arith.constant dense<0.000000e+00> : vector<32x512xf32>
    %dot_general3A_57 = tpu.matmul %convert_element_type3A_55, %mul3A, %dot_general3A_56 {dimension_numbers = #tpu.dot_dimension_numbers<[1], [0], [0], [1], [0, 0, 1, 1], [], []>, precision = #tpu.contract_precision<fp32>, transpose_lhs_hint = false} : vector<32x832xf32>, vector<832x512xf32>, vector<32x512xf32> -> vector<32x512xf32>
    %mul3A_58 = arith.mulf %mul3A, %mul3A : vector<832x512xf32>
    %dot_general3A_59 = arith.constant dense<0.000000e+00> : vector<32x512xf32>
    %dot_general3A_60 = tpu.matmul %convert_element_type3A_55, %mul3A_58, %dot_general3A_59 {dimension_numbers = #tpu.dot_dimension_numbers<[1], [0], [0], [1], [0, 0, 1, 1], [], []>, precision = #tpu.contract_precision<fp32>, transpose_lhs_hint = false} : vector<32x832xf32>, vector<832x512xf32>, vector<32x512xf32> -> vector<32x512xf32>
    %mul3A_61 = arith.mulf %dot_general3A_57, %dot_general3A_57 : vector<32x512xf32>
    %sub3A_62 = arith.subf %mul3A_61, %dot_general3A_60 : vector<32x512xf32>
    %mul3A_63 = arith.constant 5.000000e-01 : f32
    %mul3A_64 = vector.broadcast %mul3A_63 : f32 to vector<32x512xf32>
    %mul3A_65 = arith.mulf %mul3A_64, %sub3A_62 : vector<32x512xf32>
    %get3A_66 = arith.constant 0 : index
    %get3A_67 = arith.constant 0 : index
    %get3A_68 = vector.load %arg2[%get3A_66, %get3A_67] : memref<26x512xf32, #tpu.memory_space<vmem>>, vector<26x512xf32>
    %mul3A_69 = arith.mulf %get3A_68, %get3A_1 : vector<26x512xf32>
    %reduce_sum3A = arith.constant dense<0.000000e+00> : vector<512xf32>
    %reduce_sum3A_70 = vector.multi_reduction <add>, %mul3A_69, %reduce_sum3A [0] : vector<26x512xf32> to vector<512xf32>
    %broadcast_in_dim3A = vector.shape_cast %reduce_sum3A_70 : vector<512xf32> to vector<1x512xf32>
    %reduce_sum3A_71 = arith.constant dense<0.000000e+00> : vector<512xf32>
    %reduce_sum3A_72 = vector.multi_reduction <add>, %mul3A_65, %reduce_sum3A_71 [0] : vector<32x512xf32> to vector<512xf32>
    %broadcast_in_dim3A_73 = vector.shape_cast %reduce_sum3A_72 : vector<512xf32> to vector<1x512xf32>
    %add3A_74 = arith.addf %broadcast_in_dim3A, %broadcast_in_dim3A_73 : vector<1x512xf32>
    %swap3A = arith.constant 0 : index
    %swap3A_75 = arith.constant 0 : index
    %swap3A_76 = vector.load %arg7[%swap3A, %swap3A_75] : memref<1x512xf32, #tpu.memory_space<vmem>>, vector<1x512xf32>
    tpu.vector_store %arg7[%swap3A, %swap3A_75], %add3A_74 {strides = array<i32>} : memref<1x512xf32, #tpu.memory_space<vmem>>, vector<1x512xf32>,
    %get3A_77 = arith.constant 0 : index
    %get3A_78 = arith.constant 0 : index
    %get3A_79 = vector.load %arg4[%get3A_77, %get3A_78] : memref<512x832xf32, #tpu.memory_space<vmem>>, vector<512x832xf32>
    %dot_general3A_80 = arith.constant dense<0.000000e+00> : vector<512x512xf32>
    %dot_general3A_81 = tpu.matmul %get3A_79, %mul3A, %dot_general3A_80 {dimension_numbers = #tpu.dot_dimension_numbers<[1], [0], [0], [1], [0, 0, 1, 1], [], []>, precision = #tpu.contract_precision<fp32>, transpose_lhs_hint = false} : vector<512x832xf32>, vector<832x512xf32>, vector<512x512xf32> -> vector<512x512xf32>
    %get3A_82 = arith.constant 0 : index
    %get3A_83 = arith.constant 0 : index
    %get3A_84 = vector.load %arg5[%get3A_82, %get3A_83] : memref<512x1xf32, #tpu.memory_space<vmem>>, vector<512x1xf32>
    %add3A_85 = vector.broadcast %get3A_84 : vector<512x1xf32> to vector<512x512xf32>
    %add3A_86 = arith.addf %dot_general3A_81, %add3A_85 : vector<512x512xf32>
    %swap3A_87 = arith.constant 0 : index
    %swap3A_88 = arith.constant 0 : index
    %swap3A_89 = vector.load %arg6[%swap3A_87, %swap3A_88] : memref<512x512xf32, #tpu.memory_space<vmem>>, vector<512x512xf32>
    tpu.vector_store %arg6[%swap3A_87, %swap3A_88], %add3A_86 {strides = array<i32>} : memref<512x512xf32, #tpu.memory_space<vmem>>, vector<512x512xf32>,
    %eq3A_90 = arith.constant 0 : i32
    %eq3A_91 = arith.cmpi eq, %arg0, %eq3A_90 : i32
    %convert_element_type3A_92 = arith.extui %eq3A_91 : i1 to i32
    %cond3A = arith.constant 0 : i32
    %cond3A_93 = arith.cmpi ne, %convert_element_type3A_92, %cond3A : i32
    scf.if %cond3A_93 {
      %broadcast_in_dim3A_115 = arith.constant 0.000000e+00 : f32
      %broadcast_in_dim3A_116 = vector.broadcast %broadcast_in_dim3A_115 : f32 to vector<512x1xf32>
      %swap3A_117 = arith.constant 0 : index
      %swap3A_118 = arith.constant 0 : index
      %swap3A_119 = vector.load %arg8[%swap3A_117, %swap3A_118] : memref<512x1xf32, #tpu.memory_space<vmem>>, vector<512x1xf32>
      tpu.vector_store %arg8[%swap3A_117, %swap3A_118], %broadcast_in_dim3A_116 {strides = array<i32>} : memref<512x1xf32, #tpu.memory_space<vmem>>, vector<512x1xf32>,
      %broadcast_in_dim3A_120 = arith.constant 0.000000e+00 : f32
      %broadcast_in_dim3A_121 = vector.broadcast %broadcast_in_dim3A_120 : f32 to vector<512x1xf32>
      %swap3A_122 = arith.constant 0 : index
      %swap3A_123 = arith.constant 0 : index
      %swap3A_124 = vector.load %arg9[%swap3A_122, %swap3A_123] : memref<512x1xf32, #tpu.memory_space<vmem>>, vector<512x1xf32>
      tpu.vector_store %arg9[%swap3A_122, %swap3A_123], %broadcast_in_dim3A_121 {strides = array<i32>} : memref<512x1xf32, #tpu.memory_space<vmem>>, vector<512x1xf32>,
    } else {
    }
    %get3A_94 = arith.constant 0 : index
    %get3A_95 = arith.constant 0 : index
    %get3A_96 = vector.load %arg8[%get3A_94, %get3A_95] : memref<512x1xf32, #tpu.memory_space<vmem>>, vector<512x1xf32>
    %reduce_sum3A_97 = arith.constant dense<0.000000e+00> : vector<512xf32>
    %reduce_sum3A_98 = vector.multi_reduction <add>, %add3A_86, %reduce_sum3A_97 [1] : vector<512x512xf32> to vector<512xf32>
    %broadcast_in_dim3A_99 = vector.shape_cast %reduce_sum3A_98 : vector<512xf32> to vector<512x1xf32>
    %add3A_100 = arith.addf %get3A_96, %broadcast_in_dim3A_99 : vector<512x1xf32>
    %swap3A_101 = arith.constant 0 : index
    %swap3A_102 = arith.constant 0 : index
    %swap3A_103 = vector.load %arg8[%swap3A_101, %swap3A_102] : memref<512x1xf32, #tpu.memory_space<vmem>>, vector<512x1xf32>
    tpu.vector_store %arg8[%swap3A_101, %swap3A_102], %add3A_100 {strides = array<i32>} : memref<512x1xf32, #tpu.memory_space<vmem>>, vector<512x1xf32>,
    %get3A_104 = arith.constant 0 : index
    %get3A_105 = arith.constant 0 : index
    %get3A_106 = vector.load %arg9[%get3A_104, %get3A_105] : memref<512x1xf32, #tpu.memory_space<vmem>>, vector<512x1xf32>
    %mul3A_107 = arith.mulf %add3A_86, %add3A_86 : vector<512x512xf32>
    %reduce_sum3A_108 = arith.constant dense<0.000000e+00> : vector<512xf32>
    %reduce_sum3A_109 = vector.multi_reduction <add>, %mul3A_107, %reduce_sum3A_108 [1] : vector<512x512xf32> to vector<512xf32>
    %broadcast_in_dim3A_110 = vector.shape_cast %reduce_sum3A_109 : vector<512xf32> to vector<512x1xf32>
    %add3A_111 = arith.addf %get3A_106, %broadcast_in_dim3A_110 : vector<512x1xf32>
    %swap3A_112 = arith.constant 0 : index
    %swap3A_113 = arith.constant 0 : index
    %swap3A_114 = vector.load %arg9[%swap3A_112, %swap3A_113] : memref<512x1xf32, #tpu.memory_space<vmem>>, vector<512x1xf32>
    tpu.vector_store %arg9[%swap3A_112, %swap3A_113], %add3A_111 {strides = array<i32>} : memref<512x1xf32, #tpu.memory_space<vmem>>, vector<512x1xf32>,
    return
  }
  func.func @transform_0(%arg0: i32) -> (i32, i32) {
    %c0_i32 = arith.constant 0 : i32
    %c0_i32_0 = arith.constant 0 : i32
    return %c0_i32, %arg0 : i32, i32
  }
  func.func @transform_1(%arg0: i32) -> (i32, i32) {
    %c0_i32 = arith.constant 0 : i32
    %c0_i32_0 = arith.constant 0 : i32
    return %c0_i32, %arg0 : i32, i32
  }
  func.func @transform_2(%arg0: i32) -> (i32, i32) {
    %c0_i32 = arith.constant 0 : i32
    %c0_i32_0 = arith.constant 0 : i32
    return %c0_i32, %arg0 : i32, i32
  }
  func.func @transform_3(%arg0: i32) -> (i32, i32) {
    %c0_i32 = arith.constant 0 : i32
    %c0_i32_0 = arith.constant 0 : i32
    %c0_i32_1 = arith.constant 0 : i32
    return %c0_i32, %c0_i32_0 : i32, i32
  }
  func.func @transform_4(%arg0: i32) -> (i32, i32) {
    %c0_i32 = arith.constant 0 : i32
    %c0_i32_0 = arith.constant 0 : i32
    %c0_i32_1 = arith.constant 0 : i32
    return %c0_i32, %c0_i32_0 : i32, i32
  }
  func.func @transform_5(%arg0: i32) -> (i32, i32) {
    %c0_i32 = arith.constant 0 : i32
    %c0_i32_0 = arith.constant 0 : i32
    return %c0_i32, %arg0 : i32, i32
  }
  func.func @transform_6(%arg0: i32) -> (i32, i32) {
    %c0_i32 = arith.constant 0 : i32
    %c0_i32_0 = arith.constant 0 : i32
    return %c0_i32, %arg0 : i32, i32
  }
  func.func @transform_7(%arg0: i32) -> (i32, i32) {
    %c0_i32 = arith.constant 0 : i32
    %c0_i32_0 = arith.constant 0 : i32
    %c0_i32_1 = arith.constant 0 : i32
    return %c0_i32, %c0_i32_0 : i32, i32
  }
  func.func @transform_8(%arg0: i32) -> (i32, i32) {
    %c0_i32 = arith.constant 0 : i32
    %c0_i32_0 = arith.constant 0 : i32
    %c0_i32_1 = arith.constant 0 : i32
    return %c0_i32, %c0_i32_0 : i32, i32
  }
}

module attributes {stable_mosaic.version = 14 : i64} {
  func.func @_tc2_body(%arg0: i32, %arg1: memref<512x512xf32, #tpu.memory_space<vmem>>, %arg2: memref<512x1xf32, #tpu.memory_space<vmem>>, %arg3: memref<512x1xf32, #tpu.memory_space<vmem>>, %arg4: memref<512x1xf32, #tpu.memory_space<vmem>>, %arg5: memref<512x1xf32, #tpu.memory_space<vmem>>, %arg6: memref<256x512xf32, #tpu.memory_space<vmem>>, %arg7: memref<256x1xf32, #tpu.memory_space<vmem>>, %arg8: memref<256x512xf32, #tpu.memory_space<vmem>>, %arg9: memref<256x1xf32, #tpu.memory_space<vmem>>, %arg10: memref<256x1xf32, #tpu.memory_space<vmem>>) attributes {dimension_semantics = [#tpu.dimension_semantics<arbitrary>], iteration_bounds = array<i64: 8>, scalar_prefetch = 0 : i64, scratch_operands = 0 : i64, tpu.core_type = #tpu.core_type<tc>, window_params = [{transform_indices = @transform_0, window_bounds = array<i64: 512, 512>}, {pipeline_mode = #tpu.pipeline_mode<synchronous>, transform_indices = @transform_1, window_bounds = array<i64: 512, 1>}, {pipeline_mode = #tpu.pipeline_mode<synchronous>, transform_indices = @transform_2, window_bounds = array<i64: 512, 1>}, {pipeline_mode = #tpu.pipeline_mode<synchronous>, transform_indices = @transform_3, window_bounds = array<i64: 512, 1>}, {pipeline_mode = #tpu.pipeline_mode<synchronous>, transform_indices = @transform_4, window_bounds = array<i64: 512, 1>}, {pipeline_mode = #tpu.pipeline_mode<synchronous>, transform_indices = @transform_5, window_bounds = array<i64: 256, 512>}, {pipeline_mode = #tpu.pipeline_mode<synchronous>, transform_indices = @transform_6, window_bounds = array<i64: 256, 1>}, {transform_indices = @transform_7, window_bounds = array<i64: 256, 512>}, {pipeline_mode = #tpu.pipeline_mode<synchronous>, transform_indices = @transform_8, window_bounds = array<i64: 256, 1>}, {pipeline_mode = #tpu.pipeline_mode<synchronous>, transform_indices = @transform_9, window_bounds = array<i64: 256, 1>}]} {
    %get3A = arith.constant 0 : index
    %get3A_0 = arith.constant 0 : index
    %get3A_1 = vector.load %arg2[%get3A, %get3A_0] : memref<512x1xf32, #tpu.memory_space<vmem>>, vector<512x1xf32>
    %mul3A = arith.constant 2.44140625E-4 : f32
    %mul3A_2 = vector.broadcast %mul3A : f32 to vector<512x1xf32>
    %mul3A_3 = arith.mulf %get3A_1, %mul3A_2 : vector<512x1xf32>
    %get3A_4 = arith.constant 0 : index
    %get3A_5 = arith.constant 0 : index
    %get3A_6 = vector.load %arg3[%get3A_4, %get3A_5] : memref<512x1xf32, #tpu.memory_space<vmem>>, vector<512x1xf32>
    %mul3A_7 = arith.constant 2.44140625E-4 : f32
    %mul3A_8 = vector.broadcast %mul3A_7 : f32 to vector<512x1xf32>
    %mul3A_9 = arith.mulf %get3A_6, %mul3A_8 : vector<512x1xf32>
    %mul3A_10 = arith.mulf %mul3A_3, %mul3A_3 : vector<512x1xf32>
    %sub3A = arith.subf %mul3A_9, %mul3A_10 : vector<512x1xf32>
    %get3A_11 = arith.constant 0 : index
    %get3A_12 = arith.constant 0 : index
    %get3A_13 = vector.load %arg4[%get3A_11, %get3A_12] : memref<512x1xf32, #tpu.memory_space<vmem>>, vector<512x1xf32>
    %add3A = arith.constant 9.99999974E-6 : f32
    %add3A_14 = vector.broadcast %add3A : f32 to vector<512x1xf32>
    %add3A_15 = arith.addf %sub3A, %add3A_14 : vector<512x1xf32>
    %rsqrt3A = math.rsqrt %add3A_15 : vector<512x1xf32>
    %mul3A_16 = arith.mulf %get3A_13, %rsqrt3A : vector<512x1xf32>
    %get3A_17 = arith.constant 0 : index
    %get3A_18 = arith.constant 0 : index
    %get3A_19 = vector.load %arg5[%get3A_17, %get3A_18] : memref<512x1xf32, #tpu.memory_space<vmem>>, vector<512x1xf32>
    %mul3A_20 = arith.mulf %mul3A_3, %mul3A_16 : vector<512x1xf32>
    %sub3A_21 = arith.subf %get3A_19, %mul3A_20 : vector<512x1xf32>
    %get3A_22 = arith.constant 0 : index
    %get3A_23 = arith.constant 0 : index
    %get3A_24 = vector.load %arg1[%get3A_22, %get3A_23] : memref<512x512xf32, #tpu.memory_space<vmem>>, vector<512x512xf32>
    %mul3A_25 = vector.broadcast %mul3A_16 : vector<512x1xf32> to vector<512x512xf32>
    %mul3A_26 = arith.mulf %get3A_24, %mul3A_25 : vector<512x512xf32>
    %add3A_27 = vector.broadcast %sub3A_21 : vector<512x1xf32> to vector<512x512xf32>
    %add3A_28 = arith.addf %mul3A_26, %add3A_27 : vector<512x512xf32>
    %get3A_29 = arith.constant 0 : index
    %get3A_30 = arith.constant 0 : index
    %get3A_31 = vector.load %arg6[%get3A_29, %get3A_30] : memref<256x512xf32, #tpu.memory_space<vmem>>, vector<256x512xf32>
    %dot_general3A = arith.constant dense<0.000000e+00> : vector<256x512xf32>
    %dot_general3A_32 = tpu.matmul %get3A_31, %add3A_28, %dot_general3A {dimension_numbers = #tpu.dot_dimension_numbers<[1], [0], [0], [1], [0, 0, 1, 1], [], []>, precision = #tpu.contract_precision<fp32>, transpose_lhs_hint = false} : vector<256x512xf32>, vector<512x512xf32>, vector<256x512xf32> -> vector<256x512xf32>
    %get3A_33 = arith.constant 0 : index
    %get3A_34 = arith.constant 0 : index
    %get3A_35 = vector.load %arg7[%get3A_33, %get3A_34] : memref<256x1xf32, #tpu.memory_space<vmem>>, vector<256x1xf32>
    %add3A_36 = vector.broadcast %get3A_35 : vector<256x1xf32> to vector<256x512xf32>
    %add3A_37 = arith.addf %dot_general3A_32, %add3A_36 : vector<256x512xf32>
    %swap3A = arith.constant 0 : index
    %swap3A_38 = arith.constant 0 : index
    %swap3A_39 = vector.load %arg8[%swap3A, %swap3A_38] : memref<256x512xf32, #tpu.memory_space<vmem>>, vector<256x512xf32>
    tpu.vector_store %arg8[%swap3A, %swap3A_38], %add3A_37 {strides = array<i32>} : memref<256x512xf32, #tpu.memory_space<vmem>>, vector<256x512xf32>,
    %eq3A = arith.constant 0 : i32
    %eq3A_40 = arith.cmpi eq, %arg0, %eq3A : i32
    %convert_element_type3A = arith.extui %eq3A_40 : i1 to i32
    %cond3A = arith.constant 0 : i32
    %cond3A_41 = arith.cmpi ne, %convert_element_type3A, %cond3A : i32
    scf.if %cond3A_41 {
      %broadcast_in_dim3A_61 = arith.constant 0.000000e+00 : f32
      %broadcast_in_dim3A_62 = vector.broadcast %broadcast_in_dim3A_61 : f32 to vector<256x1xf32>
      %swap3A_63 = arith.constant 0 : index
      %swap3A_64 = arith.constant 0 : index
      %swap3A_65 = vector.load %arg9[%swap3A_63, %swap3A_64] : memref<256x1xf32, #tpu.memory_space<vmem>>, vector<256x1xf32>
      tpu.vector_store %arg9[%swap3A_63, %swap3A_64], %broadcast_in_dim3A_62 {strides = array<i32>} : memref<256x1xf32, #tpu.memory_space<vmem>>, vector<256x1xf32>,
      %broadcast_in_dim3A_66 = arith.constant 0.000000e+00 : f32
      %broadcast_in_dim3A_67 = vector.broadcast %broadcast_in_dim3A_66 : f32 to vector<256x1xf32>
      %swap3A_68 = arith.constant 0 : index
      %swap3A_69 = arith.constant 0 : index
      %swap3A_70 = vector.load %arg10[%swap3A_68, %swap3A_69] : memref<256x1xf32, #tpu.memory_space<vmem>>, vector<256x1xf32>
      tpu.vector_store %arg10[%swap3A_68, %swap3A_69], %broadcast_in_dim3A_67 {strides = array<i32>} : memref<256x1xf32, #tpu.memory_space<vmem>>, vector<256x1xf32>,
    } else {
    }
    %get3A_42 = arith.constant 0 : index
    %get3A_43 = arith.constant 0 : index
    %get3A_44 = vector.load %arg9[%get3A_42, %get3A_43] : memref<256x1xf32, #tpu.memory_space<vmem>>, vector<256x1xf32>
    %reduce_sum3A = arith.constant dense<0.000000e+00> : vector<256xf32>
    %reduce_sum3A_45 = vector.multi_reduction <add>, %add3A_37, %reduce_sum3A [1] : vector<256x512xf32> to vector<256xf32>
    %broadcast_in_dim3A = vector.shape_cast %reduce_sum3A_45 : vector<256xf32> to vector<256x1xf32>
    %add3A_46 = arith.addf %get3A_44, %broadcast_in_dim3A : vector<256x1xf32>
    %swap3A_47 = arith.constant 0 : index
    %swap3A_48 = arith.constant 0 : index
    %swap3A_49 = vector.load %arg9[%swap3A_47, %swap3A_48] : memref<256x1xf32, #tpu.memory_space<vmem>>, vector<256x1xf32>
    tpu.vector_store %arg9[%swap3A_47, %swap3A_48], %add3A_46 {strides = array<i32>} : memref<256x1xf32, #tpu.memory_space<vmem>>, vector<256x1xf32>,
    %get3A_50 = arith.constant 0 : index
    %get3A_51 = arith.constant 0 : index
    %get3A_52 = vector.load %arg10[%get3A_50, %get3A_51] : memref<256x1xf32, #tpu.memory_space<vmem>>, vector<256x1xf32>
    %mul3A_53 = arith.mulf %add3A_37, %add3A_37 : vector<256x512xf32>
    %reduce_sum3A_54 = arith.constant dense<0.000000e+00> : vector<256xf32>
    %reduce_sum3A_55 = vector.multi_reduction <add>, %mul3A_53, %reduce_sum3A_54 [1] : vector<256x512xf32> to vector<256xf32>
    %broadcast_in_dim3A_56 = vector.shape_cast %reduce_sum3A_55 : vector<256xf32> to vector<256x1xf32>
    %add3A_57 = arith.addf %get3A_52, %broadcast_in_dim3A_56 : vector<256x1xf32>
    %swap3A_58 = arith.constant 0 : index
    %swap3A_59 = arith.constant 0 : index
    %swap3A_60 = vector.load %arg10[%swap3A_58, %swap3A_59] : memref<256x1xf32, #tpu.memory_space<vmem>>, vector<256x1xf32>
    tpu.vector_store %arg10[%swap3A_58, %swap3A_59], %add3A_57 {strides = array<i32>} : memref<256x1xf32, #tpu.memory_space<vmem>>, vector<256x1xf32>,
    return
  }
  func.func @transform_0(%arg0: i32) -> (i32, i32) {
    %c0_i32 = arith.constant 0 : i32
    %c0_i32_0 = arith.constant 0 : i32
    return %c0_i32, %arg0 : i32, i32
  }
  func.func @transform_1(%arg0: i32) -> (i32, i32) {
    %c0_i32 = arith.constant 0 : i32
    %c0_i32_0 = arith.constant 0 : i32
    %c0_i32_1 = arith.constant 0 : i32
    return %c0_i32, %c0_i32_0 : i32, i32
  }
  func.func @transform_2(%arg0: i32) -> (i32, i32) {
    %c0_i32 = arith.constant 0 : i32
    %c0_i32_0 = arith.constant 0 : i32
    %c0_i32_1 = arith.constant 0 : i32
    return %c0_i32, %c0_i32_0 : i32, i32
  }
  func.func @transform_3(%arg0: i32) -> (i32, i32) {
    %c0_i32 = arith.constant 0 : i32
    %c0_i32_0 = arith.constant 0 : i32
    %c0_i32_1 = arith.constant 0 : i32
    return %c0_i32, %c0_i32_0 : i32, i32
  }
  func.func @transform_4(%arg0: i32) -> (i32, i32) {
    %c0_i32 = arith.constant 0 : i32
    %c0_i32_0 = arith.constant 0 : i32
    %c0_i32_1 = arith.constant 0 : i32
    return %c0_i32, %c0_i32_0 : i32, i32
  }
  func.func @transform_5(%arg0: i32) -> (i32, i32) {
    %c0_i32 = arith.constant 0 : i32
    %c0_i32_0 = arith.constant 0 : i32
    %c0_i32_1 = arith.constant 0 : i32
    return %c0_i32, %c0_i32_0 : i32, i32
  }
  func.func @transform_6(%arg0: i32) -> (i32, i32) {
    %c0_i32 = arith.constant 0 : i32
    %c0_i32_0 = arith.constant 0 : i32
    %c0_i32_1 = arith.constant 0 : i32
    return %c0_i32, %c0_i32_0 : i32, i32
  }
  func.func @transform_7(%arg0: i32) -> (i32, i32) {
    %c0_i32 = arith.constant 0 : i32
    %c0_i32_0 = arith.constant 0 : i32
    return %c0_i32, %arg0 : i32, i32
  }
  func.func @transform_8(%arg0: i32) -> (i32, i32) {
    %c0_i32 = arith.constant 0 : i32
    %c0_i32_0 = arith.constant 0 : i32
    %c0_i32_1 = arith.constant 0 : i32
    return %c0_i32, %c0_i32_0 : i32, i32
  }
  func.func @transform_9(%arg0: i32) -> (i32, i32) {
    %c0_i32 = arith.constant 0 : i32
    %c0_i32_0 = arith.constant 0 : i32
    %c0_i32_1 = arith.constant 0 : i32
    return %c0_i32, %c0_i32_0 : i32, i32
  }
}

module attributes {stable_mosaic.version = 14 : i64} {
  func.func @_tc3_body(%arg0: memref<256x4096xf32, #tpu.memory_space<vmem>>, %arg1: memref<256x1xf32, #tpu.memory_space<vmem>>, %arg2: memref<256x1xf32, #tpu.memory_space<vmem>>, %arg3: memref<256x1xf32, #tpu.memory_space<vmem>>, %arg4: memref<256x1xf32, #tpu.memory_space<vmem>>, %arg5: memref<1x4096xf32, #tpu.memory_space<vmem>>, %arg6: memref<1x1xf32, #tpu.memory_space<vmem>>, %arg7: memref<1x4096xf32, #tpu.memory_space<vmem>>) attributes {dimension_semantics = [], scalar_prefetch = 0 : i64, scratch_operands = 0 : i64, tpu.core_type = #tpu.core_type<tc>} {
    %get3A = arith.constant 0 : index
    %get3A_0 = arith.constant 0 : index
    %get3A_1 = vector.load %arg1[%get3A, %get3A_0] : memref<256x1xf32, #tpu.memory_space<vmem>>, vector<256x1xf32>
    %mul3A = arith.constant 2.44140625E-4 : f32
    %mul3A_2 = vector.broadcast %mul3A : f32 to vector<256x1xf32>
    %mul3A_3 = arith.mulf %get3A_1, %mul3A_2 : vector<256x1xf32>
    %get3A_4 = arith.constant 0 : index
    %get3A_5 = arith.constant 0 : index
    %get3A_6 = vector.load %arg2[%get3A_4, %get3A_5] : memref<256x1xf32, #tpu.memory_space<vmem>>, vector<256x1xf32>
    %mul3A_7 = arith.constant 2.44140625E-4 : f32
    %mul3A_8 = vector.broadcast %mul3A_7 : f32 to vector<256x1xf32>
    %mul3A_9 = arith.mulf %get3A_6, %mul3A_8 : vector<256x1xf32>
    %mul3A_10 = arith.mulf %mul3A_3, %mul3A_3 : vector<256x1xf32>
    %sub3A = arith.subf %mul3A_9, %mul3A_10 : vector<256x1xf32>
    %get3A_11 = arith.constant 0 : index
    %get3A_12 = arith.constant 0 : index
    %get3A_13 = vector.load %arg3[%get3A_11, %get3A_12] : memref<256x1xf32, #tpu.memory_space<vmem>>, vector<256x1xf32>
    %add3A = arith.constant 9.99999974E-6 : f32
    %add3A_14 = vector.broadcast %add3A : f32 to vector<256x1xf32>
    %add3A_15 = arith.addf %sub3A, %add3A_14 : vector<256x1xf32>
    %rsqrt3A = math.rsqrt %add3A_15 : vector<256x1xf32>
    %mul3A_16 = arith.mulf %get3A_13, %rsqrt3A : vector<256x1xf32>
    %get3A_17 = arith.constant 0 : index
    %get3A_18 = arith.constant 0 : index
    %get3A_19 = vector.load %arg4[%get3A_17, %get3A_18] : memref<256x1xf32, #tpu.memory_space<vmem>>, vector<256x1xf32>
    %mul3A_20 = arith.mulf %mul3A_3, %mul3A_16 : vector<256x1xf32>
    %sub3A_21 = arith.subf %get3A_19, %mul3A_20 : vector<256x1xf32>
    %get3A_22 = arith.constant 0 : index
    %get3A_23 = arith.constant 0 : index
    %get3A_24 = vector.load %arg0[%get3A_22, %get3A_23] : memref<256x4096xf32, #tpu.memory_space<vmem>>, vector<256x4096xf32>
    %mul3A_25 = vector.broadcast %mul3A_16 : vector<256x1xf32> to vector<256x4096xf32>
    %mul3A_26 = arith.mulf %get3A_24, %mul3A_25 : vector<256x4096xf32>
    %reduce_sum3A = arith.constant dense<0.000000e+00> : vector<4096xf32>
    %reduce_sum3A_27 = vector.multi_reduction <add>, %mul3A_26, %reduce_sum3A [0] : vector<256x4096xf32> to vector<4096xf32>
    %broadcast_in_dim3A = vector.shape_cast %reduce_sum3A_27 : vector<4096xf32> to vector<1x4096xf32>
    %reduce_sum3A_28 = vector.shape_cast %sub3A_21 : vector<256x1xf32> to vector<1x256x1xf32>
    %reduce_sum3A_29 = arith.constant dense<0.000000e+00> : vector<1xf32>
    %reduce_sum3A_30 = vector.multi_reduction <add>, %reduce_sum3A_28, %reduce_sum3A_29 [1, 2] : vector<1x256x1xf32> to vector<1xf32>
    %reduce_sum3A_31 = vector.shape_cast %reduce_sum3A_30 : vector<1xf32> to vector<1x1x1xf32>
    %reduce_sum3A_32 = vector.extract %reduce_sum3A_31[0, 0, 0] : f32 from vector<1x1x1xf32>
    %add3A_33 = vector.broadcast %reduce_sum3A_32 : f32 to vector<1x4096xf32>
    %add3A_34 = arith.addf %broadcast_in_dim3A, %add3A_33 : vector<1x4096xf32>
    %get3A_35 = arith.constant 0 : index
    %get3A_36 = arith.constant 0 : index
    %get3A_37 = vector.load %arg5[%get3A_35, %get3A_36] : memref<1x4096xf32, #tpu.memory_space<vmem>>, vector<1x4096xf32>
    %add3A_38 = arith.addf %get3A_37, %add3A_34 : vector<1x4096xf32>
    %get3A_39 = arith.constant 0 : index
    %get3A_40 = arith.constant 0 : index
    %get3A_41 = vector.load %arg6[%get3A_39, %get3A_40] : memref<1x1xf32, #tpu.memory_space<vmem>>, vector<1x1xf32>
    %get3A_42 = vector.extract %get3A_41[0, 0] : f32 from vector<1x1xf32>
    %add3A_43 = vector.broadcast %get3A_42 : f32 to vector<1x4096xf32>
    %add3A_44 = arith.addf %add3A_38, %add3A_43 : vector<1x4096xf32>
    %swap3A = arith.constant 0 : index
    %swap3A_45 = arith.constant 0 : index
    %swap3A_46 = vector.load %arg7[%swap3A, %swap3A_45] : memref<1x4096xf32, #tpu.memory_space<vmem>>, vector<1x4096xf32>
    tpu.vector_store %arg7[%swap3A, %swap3A_45], %add3A_44 {strides = array<i32>} : memref<1x4096xf32, #tpu.memory_space<vmem>>, vector<1x4096xf32>,
    return
  }
}

</mosaic_0001>

<sc_bundles>
// kernel: kernel.6.cloned.1.call-start
scs
__scs_entry_jumppad:
0x0: {  	(pc) =	sbr.rel $0x88, $3  }
0x1: {  	(tag) =	ssettag $0x0;
	lr =	simm.s32 $0x1  }
0x2: {  	[smem:$0x3F94] =	sst lr;
	_ =	strace $0xD0000000  }
0x3: {  	_ = 	snop  }
0x4: {  	_ = 	snop  }
0x5: {  	_ = 	snop  }
0x6: {  	_ = 	snop  }
0x7: {  	_ = 	snop  }
__scs_overlays_trampoline_lowered:
0x8: {  	[smem:$0x3FA3] =	sst s0  }
0x9: {  	[smem:$0x3FA4] =	sst s1  }
0xa: {  	[smem:$0x3FA5] =	sst s2  }
0xb: {  	[smem:$0x3FA6] =	sst s3  }
0xc: {  	[smem:$0x3FA7] =	sst s4  }
0xd: {  	[smem:$0x3FA8] =	sst s5  }
0xe: {  	[smem:$0x3FA9] =	sst s6  }
0xf: {  	[smem:$0x3FAA] =	sst s7  }
0x10: {  	[smem:$0x3FAB] =	sst s8  }
0x11: {  	[smem:$0x3FAC] =	sst s9;
	s0 =	simm.s32 @!p0 $0x0  }
0x12: {  	s1 =	sld [smem:$0x3F92];
	s0 =	simm.s32 @p0 $0x1  }
0x13: {  	[smem:$0x3FAD] =	sst s0;
	s0 =	simm.s32 @!p1 $0x0  }
0x14: {  	s2 =	sld [smem:$0x3F91];
	s0 =	simm.s32 @p1 $0x1  }
0x15: {  	[smem:$0x3FAE] =	sst s0;
	s0 =	simm.s32 @!p2 $0x0  }
0x16: {  	s3 =	sld [smem:$0x3FDB];
	s0 =	simm.s32 @p2 $0x1  }
0x17: {  	s4 =	simm.s32 $0x1BF5;
	[smem:$0x3FB0] =	sst s0  }
0x18: {  	s0 =	sld [smem:$0x3F93];
	_ =	swait.ge [sflag:s4], $0x0  }
0x19: {  	s7 =	sld [smem:$0x3F94]  }
0x1a: {  	s8 =	sadd.s32 $0xFFFFE003, lr  }
0x1b: {  	s9 =	sadd.s32 $0xFFFFFEF7, lr;
	s5 =	simm.s32 $0xFFFFFFFF;
	p2 =	slt.u32 s8, $0xFFFFF086  }
0x1c: {  	p1 =	slt.u32 s9, $0xF7A;
	s5 =	simm.s32 @!p2 $0x0  }
0x1d: {  	s5 =	simm.s32 @p1 $0x1;
	p0 =	seq.s32 s7, s2  }
0x1e: {  	s7 =	smul.u32 @!p0 $0xF7A, s2;
	p2 =	seq.s32 @!p0 s5, $0x0  }
0x1f: {  	s9 =	smul.u32 $0xF7A, s1;
	s8 =	simm.s32 @!p0 $0x1BF5;
	p2 =	por !p2, p0  }
0x20: {  	[sflag:s8] =	ssyncset.s32 @!p0 $0xFFFFF086;
	s6 =	sadd.s32 @!p0 s3, s7;
	s7 =	simm.s32 @!p0 $0x108  }
0x21: {  	s3 =	sadd.s32 s3, s9;
	s6 =	sadd.s32 @!p0 $0x88, s6;
	s7 =	simm.s32 @p2 $0x1082  }
0x22: {  	[simem:s7], [sflag:s8] =	dma.local @!p0 [hbm:s6], $0xF7A  }
0x23: {  	s9 =	sor.u32 $0xD0000000, s2;
	s6 =	simm.s32 $0x108;
	_ =	swait.ge @!p0 [sflag:s8], $0x0  }
0x24: {  	s3 =	sadd.s32 $0x88, s3;
	s6 =	simm.s32 @!p1 $0x1082;
	[sflag:s4] =	ssyncset.s32 $0xFFFFF086  }
0x25: {  	[simem:s6], [sflag:s4] =	dma.local [hbm:s3], $0xF7A  }
0x26: {  	[smem:$0x3F94] =	sst s1;
	(tag) =	ssettag s2;
	_ =	strace s9  }
0x27: {  	s1 =	sld [smem:$0x3FA4]  }
0x28: {  	s2 =	sld [smem:$0x3FA5]  }
0x29: {  	s4 =	sld [smem:$0x3FA7]  }
0x2a: {  	p0 =	seq.s32 s5, $0x0;
	s5 =	sld [smem:$0x3FA8]  }
0x2b: {  	s6 =	sld [smem:$0x3FA9]  }
0x2c: {  	s7 =	sld [smem:$0x3FAA]  }
0x2d: {  	s3 =	simm.s32 $0x108;
	s8 =	sld [smem:$0x3FAB]  }
0x2e: {  	s3 =	simm.s32 @!p0 $0x1082;
	s9 =	sld [smem:$0x3FAC]  }
0x2f: {  	lr =	sadd.s32 s0, s3;
	s0 =	sld [smem:$0x3FA3]  }
0x30: {  	s3 =	sld [smem:$0x3FA6]  }
0x31: {  	[smem:$0x3FAF] =	sst s10  }
0x32: {  	s10 =	sld [smem:$0x3FAD];
	_ =	sdelay $0x3  }
0x33: {  	p0 =	seq.s32 s10, $0x1;
	s10 =	sld [smem:$0x3FAF];
	_ =	sdelay $0x3  }
0x34: {  	[smem:$0x3FAF] =	sst s10  }
0x35: {  	s10 =	sld [smem:$0x3FAE];
	_ =	sdelay $0x3  }
0x36: {  	p1 =	seq.s32 s10, $0x1;
	s10 =	sld [smem:$0x3FAF];
	_ =	sdelay $0x3  }
0x37: {  	[smem:$0x3FAF] =	sst s10  }
0x38: {  	s10 =	sld [smem:$0x3FB0]  }
0x39: {  	_ = 	snop;
	(pc) =	sbr.ind lr, $3  }
0x3a: {  	_ = 	snop  }
0x3b: {  	_ = 	snop  }
0x3c: {  	p2 =	seq.s32 s10, $0x1;
	s10 =	sld [smem:$0x3FAF]  }
0x3d: {  	_ =	shalt  }
0x3e: {  	_ =	shalt  }
0x3f: {  	_ =	shalt  }
0x40: {  	_ =	shalt  }
0x41: {  	_ =	shalt  }
0x42: {  	_ =	shalt  }
0x43: {  	_ =	shalt  }
0x44: {  	_ =	shalt  }
0x45: {  	_ =	shalt  }
0x46: {  	_ =	shalt  }
0x47: {  	_ =	shalt  }
0x48: {  	_ =	shalt  }
0x49: {  	_ =	shalt  }
0x4a: {  	_ =	shalt  }
0x4b: {  	_ =	shalt  }
0x4c: {  	_ =	shalt  }
0x4d: {  	_ =	shalt  }
0x4e: {  	_ =	shalt  }
0x4f: {  	_ =	shalt  }
0x50: {  	_ =	shalt  }
0x51: {  	_ =	shalt  }
0x52: {  	_ =	shalt  }
0x53: {  	_ =	shalt  }
0x54: {  	_ =	shalt  }
0x55: {  	_ =	shalt  }
0x56: {  	_ =	shalt  }
0x57: {  	_ =	shalt  }
0x58: {  	_ =	shalt  }
0x59: {  	_ =	shalt  }
0x5a: {  	_ =	shalt  }
0x5b: {  	_ =	shalt  }
0x5c: {  	_ =	shalt  }
0x5d: {  	_ =	shalt  }
0x5e: {  	_ =	shalt  }
0x5f: {  	_ =	shalt  }
0x60: {  	_ =	shalt  }
0x61: {  	_ =	shalt  }
0x62: {  	_ =	shalt  }
0x63: {  	_ =	shalt  }
0x64: {  	_ =	shalt  }
0x65: {  	_ =	shalt  }
0x66: {  	_ =	shalt  }
0x67: {  	_ =	shalt  }
0x68: {  	_ =	shalt  }
0x69: {  	_ =	shalt  }
0x6a: {  	_ =	shalt  }
0x6b: {  	_ =	shalt  }
0x6c: {  	_ =	shalt  }
0x6d: {  	_ =	shalt  }
0x6e: {  	_ =	shalt  }
0x6f: {  	_ =	shalt  }
0x70: {  	_ =	shalt  }
0x71: {  	_ =	shalt  }
0x72: {  	_ =	shalt  }
0x73: {  	_ =	shalt  }
0x74: {  	_ =	shalt  }
0x75: {  	_ =	shalt  }
0x76: {  	_ =	shalt  }
0x77: {  	_ =	shalt  }
0x78: {  	_ =	shalt  }
0x79: {  	_ =	shalt  }
0x7a: {  	_ =	shalt  }
0x7b: {  	_ =	shalt  }
0x7c: {  	_ =	shalt  }
0x7d: {  	_ =	shalt  }
0x7e: {  	_ =	shalt  }
0x7f: {  	_ =	shalt  }
0x80: {  	_ =	shalt  }
0x81: {  	_ =	shalt  }
0x82: {  	_ =	shalt  }
0x83: {  	_ =	shalt  }
0x84: {  	_ =	shalt  }
0x85: {  	_ =	shalt  }
0x86: {  	_ =	shalt  }
0x87: {  	_ =	shalt  }
.Lfunc_end0:
.L_simem_size_0:
called_computation_lowered:
.L_overlay_start_0:
0x88: {  	s2 =	sld [smem:$0x3FD9]  }
0x89: {  	s3 =	sld [smem:$0x3FFE];
	_ =	sdelay $0x1  }
0x8a: {  	s1 =	srdreg.scid  }
0x8b: {  	s0 =	sand.u32 $0x1, s1  }
0x8c: {  	s16 =	sshll.u32 s0, $0xA;
	s2 =	sadd.s32 s3, s2  }
0x8d: {  	s2 =	sadd.s32 s2, s16  }
0x8e: {  	[smem:$0x3FBB] =	sst s2  }
0x8f: {  	_ = 	snop  }
0x90: {  	(tm) =	ssettm $0x1  }
0x91: {  	s17 =	sld [smem:$0x3FFB];
	_ =	sdelay $0x3  }
0x92: {  	_ =	strace s17  }
0x93: {  	s2 =	sld [smem:$0x3FFC];
	_ =	sdelay $0x3  }
0x94: {  	_ =	strace s2  }
0x95: {  	s2 =	sld [smem:$0x3FFD];
	_ =	sdelay $0x3  }
0x96: {  	_ =	strace s2  }
0x97: {  	_ =	strace $0x8FFFFFFF  }
0x98: {  	s18 =	sld [smem:$0x3FDB];
	_ =	sdelay $0x1  }
0x99: {  	s19 =	simm.s32 $_scs_section_size  }
0x9a: {  	s4 =	simm.s32 $_size__tile_overlayer_lowered;
	s5 =	simm.s32 $_tile_overlayer_lowered  }
0x9b: {  	s22 =	simm.s32 $0x1BFF;
	s21 =	sshll.u32 s5, $0x1;
	s2 =	sadd.s32 s19, s18  }
0x9c: {  	s6 =	simm.s32 $0x0;
	s20 =	sshll.u32 s4, $0x1;
	s4 =	sadd.s32 s21, s2  }
0x9d: {  	[timem:s6], [sflag:s22] =	dma.local [hbm:s4], s20  }
0x9e: {  	_ =	swait.ge [sflag:s22], s20  }
0x9f: {  	s3 =	ssub.s32 $0x0, s20;
	[sflag:s22] =	ssyncset.done $0x0  }
0xa0: {  	[sflag:s22] =	ssyncadd.s32 s3;
	_ =	sdelay $0x1  }
0xa1: {  	s23 =	simm.s32 $0x1B8B  }
0xa2: {  	_ =	swait.ge [sflag:s23], $0x1  }
0xa3: {  	[sflag:s23] =	ssyncset.done $0x0  }
0xa4: {  	s25 =	simm.s32 $0x1B8E;
	s24 =	sld [smem:$0x3FFE];
	[sflag:s23] =	ssyncadd.s32 $0xFFFFFFFF  }
0xa5: {  	s26 =	simm.s32 $execute0_lowered;
	[smem:$0x3FD2] =	sst s25  }
0xa6: {  	s4 =	sshll.u32 s26, $0x1;
	_ =	strace $0x80000046;
	[dreg:$0x1] =	wrdreg $0xFFFFFFFF  }
0xa7: {  	s28 =	simm.s32 $_size_execute0_lowered;
	s2 =	sadd.s32 s2, s4;
	[dreg:$0x0] =	wrdreg $0x0  }
0xa8: {  	s4 =	sshll.u32 s28, $0x1;
	[dreg:$0x2] =	wrdreg s2  }
0xa9: {  	[dreg:$0x3] =	wrdreg s4  }
0xaa: {  	[dreg:$0x4] =	wrdreg $0xC0  }
0xab: {  	_ =	task [dreg:s6], $0x5FFFF  }
0xac: {  	[dreg:$0x1] =	wrdreg $0xFFFFFFFF  }
0xad: {  	[dreg:$0x0] =	wrdreg $0x60  }
0xae: {  	[dreg:$0x2] =	wrdreg s24  }
0xaf: {  	[dreg:$0x3] =	wrdreg $0x9  }
0xb0: {  	_ =	task.clear_ibuf [dreg:s6], $0x4FFFF;
	_ =	strace $0x90000046  }
0xb1: {  	s29 =	simm.s32 $0x9;
	_ =	strace $0x80000048  }
0xb2: {  	_ =	swait.ge [sflag:s29], $0x1  }
0xb3: {  	[sflag:s29] =	ssyncadd.s32 $0xFFFFFFFF  }
0xb4: {  	_ =	strace $0x90000048  }
0xb5: {  	_ =	sfence  }
0xb6: {  	s30 =	sld [smem:$0x0];
	_ =	sdelay $0x2  }
0xb7: {  	s31 =	sshll.u32 s1, $0xD;
	s1 =	sshrl.u32 s1, $0x2  }
0xb8: {  	s3 =	sand.u32 $0x4000, s31;
	s1 =	sadd.s32 s1, s30  }
0xb9: {  	s0 =	sor.u32 s3, s0;
	s1 =	sshll.u32 s1, $0x11  }
0xba: {  	s0 =	sor.u32 s1, s0  }
0xbb: {  	s0 =	sadd.s32 $0x8F2B, s0  }
0xbc: {  	[sflag:s0] =	ssyncadd.remote.s32 $0x1  }
0xbd: {  	_ =	sfence.sel $0xFFFF  }
0xbe: {  	[dreg:$0x0] =	wrdreg $0xFFFFFFFF;
	(pc) =	sbr.abs _section_cstart, $3  }
0xbf: {  	[dreg:$0x1] =	wrdreg $0xFFFFFFFF  }
0xc0: {  	_ =	task.clear_ibuf [dreg:s6], $0x2FFFF;
	_ =	strace $0x9FFFFFFF  }
0xc1: {  	(tm) =	ssettm $0x7FFFFFFF  }
tec
execute0_lowered:
.L_overlay_start_1:
0x0: {  	(tag) =	ssettag $0x1  }
0x1: {  	s0 =	rddreg [dreg:$0x0];
	s2 =	simm.s32 $0x0  }
0x2: {  	s1 =	srdreg.scid;
	s9 =	stileid.u32;
	s11 =	simm.s32 $0x2  }
0x3: {  	s12 =	simm.s32 $0x80;
	s13 =	simm.s32 $0x1000;
	s10 =	simm.s32 $0x1B80  }
0x4: {  	s14 =	simm.s32 $0x1C00;
	s15 =	simm.s32 $0xC80;
	s16 =	simm.s32 $0x1C80  }
0x5: {  	s17 =	simm.s32 $0xD00;
	s18 =	simm.s32 $0x1D00;
	s19 =	simm.s32 $0xD80  }
0x6: {  	s20 =	simm.s32 $0x1D80;
	s21 =	simm.s32 $0xE00;
	s22 =	simm.s32 $0x1E00  }
0x7: {  	s23 =	simm.s32 $0xE80;
	s28 =	simm.s32 $0xF80;
	s29 =	simm.s32 $0x1F80  }
0x8: {  	s30 =	simm.s32 $0x1;
	s31 =	simm.s32 $0x0;
	[smem:$0x7FF] =	sst s2  }
0x9: {  	s1 =	sand.u32 $0x1, s1;
	s3 =	sadd.s32 $0x2000, s0;
	s5 =	sadd.s32 $0x9ED200, s0  }
0xa: {  	s4 =	sshll.u32 s9, $0x1;
	s6 =	sadd.s32 $0xA3C800, s0;
	_ =	strace $0x80000047  }
0xb: {  	[dreg:$0x2] =	wrdreg s5;
	s5 =	sor.u32 s1, s4;
	s1 =	ssub.s32 $0x2, s1  }
0xc: {  	s7 =	sadd.s32 $0xA3FC00, s0;
	s4 =	sshll.u32 s5, $0x9;
	s24 =	sshrl.u32 s1, $0x1  }
0xd: {  	p0 =	sgt.u32 s9, $0xC;
	s8 =	sadd.s32 s4, s0;
	s1 =	ssub.s32 s1, s24  }
0xe: {  	s25 =	sadd.s32 s6, s4;
	s0 =	smul.u32 $0x186A0, s5;
	s4 =	simm.s32 $0xC00  }
0xf: {  	s24 =	simm.s32 $0x1E80;
	[dreg:$0x3] =	wrdreg s25;
	s26 =	sadd.s32 $0xAA7C00, s8  }
0x10: {  	s1 =	smax.u32 s1, $0x1;
	s25 =	simm.s32 $0xF00;
	[dreg:$0x4] =	wrdreg s26  }
0x11: {  	[dreg:$0x5] =	wrdreg s1;
	s26 =	simm.s32 $0x1F00;
	v0 =	vmov s0;
	s1 =	simm.s32 $0x0  }
.LBB2_1:
.Ltmp0:
0x12: {  	(pc) =	sbr.rel @p0 .LBB2_5-.Ltmp0, $2  }
0x13: {  	_ =	sdelay $0x2  }
0x14: {  	[dreg:$0x6] =	wrdreg s1  }
0x15: {  	s0 =	simm.s32 $0x0;
	s1 =	rddreg [dreg:$0x3]  }
0x16: {  	[tilespmem:s0], [sflag:$0x2] =	stream.linear.gather [hbm4b:s1+s0], $0x1000, $0x38;
	[tilespmem:$0x2000] =	vst v63  }
0x17: {  	_ =	swait.ge [sflag:s11], $0x1000  }
0x18: {  	[sflag:s11] =	ssyncset.done $0x0  }
0x19: {  	s0 =	simm.s32 $0x0;
	s1 =	simm.s32 $0x40;
	[sflag:s11] =	ssyncadd.s32 $0xFFFFF000  }
.LBB2_3:
0x1a: {  	p1 =	sne.s32 s1, $0x3FC0;
	v1 =	vld [tilespmem:s0+$0x0];
	_ =	sdelay $0x1  }
.Ltmp1:
0x1b: {  	(pc) =	sbr.rel @p1 .LBB2_3-.Ltmp1, $3  }
0x1c: {  	_ =	sdelay $0x1  }
0x1d: {  	v1 =	vadd.s32 v0, v1  }
0x1e: {  	[tilespmem:s0+$0x0] =	vst v1;
	s0 =	sshra.s32 s1, $0x2;
	s1 =	sadd.s32 $0x40, s1  }
0x1f: {  	v1 =	vld [tilespmem:s0+$0x0];
	_ =	sdelay $0x4  }
0x20: {  	v1 =	vadd.s32 v0, v1  }
0x21: {  	[tilespmem:s0+$0x0] =	vst v1;
	s0 =	rddreg [dreg:$0x2]  }
0x22: {  	[tilespmem:s13], [sflag:$0x1] =	stream.indirect.gather [hbm4b:s0+s12], $0x1, s2, s12, $0xb8;
	[tilespmem:$0x2000] =	vst v63  }
0x23: {  	s1 =	simm.s32 $0x1080  }
0x24: {  	[tilespmem:s1], [sflag:$0x1] =	stream.indirect.gather [hbm4b:s0+s12], $0x1, s12, s12, $0xb8;
	[tilespmem:$0x2000] =	vst v63  }
0x25: {  	s9 =	simm.s32 $0x100;
	s8 =	simm.s32 $0x1100  }
0x26: {  	[tilespmem:s8], [sflag:$0x1] =	stream.indirect.gather [hbm4b:s0+s12], $0x1, s9, s12, $0xb8;
	[tilespmem:$0x2000] =	vst v63  }
0x27: {  	s8 =	simm.s32 $0x180;
	s9 =	simm.s32 $0x1180  }
0x28: {  	[tilespmem:s9], [sflag:$0x1] =	stream.indirect.gather [hbm4b:s0+s12], $0x1, s8, s12, $0xb8;
	[tilespmem:$0x2000] =	vst v63  }
0x29: {  	s8 =	simm.s32 $0x200;
	s9 =	simm.s32 $0x1200  }
0x2a: {  	[tilespmem:s9], [sflag:$0x1] =	stream.indirect.gather [hbm4b:s0+s12], $0x1, s8, s12, $0xb8;
	[tilespmem:$0x2000] =	vst v63  }
0x2b: {  	s8 =	simm.s32 $0x280;
	s9 =	simm.s32 $0x1280  }
0x2c: {  	[tilespmem:s9], [sflag:$0x1] =	stream.indirect.gather [hbm4b:s0+s12], $0x1, s8, s12, $0xb8;
	[tilespmem:$0x2000] =	vst v63  }
0x2d: {  	s8 =	simm.s32 $0x300;
	s9 =	simm.s32 $0x1300  }
0x2e: {  	[tilespmem:s9], [sflag:$0x1] =	stream.indirect.gather [hbm4b:s0+s12], $0x1, s8, s12, $0xb8;
	[tilespmem:$0x2000] =	vst v63  }
0x2f: {  	s8 =	simm.s32 $0x380;
	s9 =	simm.s32 $0x1380  }
0x30: {  	[tilespmem:s9], [sflag:$0x1] =	stream.indirect.gather [hbm4b:s0+s12], $0x1, s8, s12, $0xb8;
	[tilespmem:$0x2000] =	vst v63  }
0x31: {  	s8 =	simm.s32 $0x400;
	s9 =	simm.s32 $0x1400  }
0x32: {  	[tilespmem:s9], [sflag:$0x1] =	stream.indirect.gather [hbm4b:s0+s12], $0x1, s8, s12, $0xb8;
	[tilespmem:$0x2000] =	vst v63  }
0x33: {  	s8 =	simm.s32 $0x480;
	s9 =	simm.s32 $0x1480  }
0x34: {  	[tilespmem:s9], [sflag:$0x1] =	stream.indirect.gather [hbm4b:s0+s12], $0x1, s8, s12, $0xb8;
	[tilespmem:$0x2000] =	vst v63  }
0x35: {  	s8 =	simm.s32 $0x500;
	s9 =	simm.s32 $0x1500  }
0x36: {  	[tilespmem:s9], [sflag:$0x1] =	stream.indirect.gather [hbm4b:s0+s12], $0x1, s8, s12, $0xb8;
	[tilespmem:$0x2000] =	vst v63  }
0x37: {  	s8 =	simm.s32 $0x580;
	s9 =	simm.s32 $0x1580  }
0x38: {  	[tilespmem:s9], [sflag:$0x1] =	stream.indirect.gather [hbm4b:s0+s12], $0x1, s8, s12, $0xb8;
	[tilespmem:$0x2000] =	vst v63  }
0x39: {  	s8 =	simm.s32 $0x600;
	s9 =	simm.s32 $0x1600  }
0x3a: {  	[tilespmem:s9], [sflag:$0x1] =	stream.indirect.gather [hbm4b:s0+s12], $0x1, s8, s12, $0xb8;
	[tilespmem:$0x2000] =	vst v63  }
0x3b: {  	s8 =	simm.s32 $0x680;
	s9 =	simm.s32 $0x1680  }
0x3c: {  	[tilespmem:s9], [sflag:$0x1] =	stream.indirect.gather [hbm4b:s0+s12], $0x1, s8, s12, $0xb8;
	[tilespmem:$0x2000] =	vst v63  }
0x3d: {  	s8 =	simm.s32 $0x700;
	s9 =	simm.s32 $0x1700  }
0x3e: {  	[tilespmem:s9], [sflag:$0x1] =	stream.indirect.gather [hbm4b:s0+s12], $0x1, s8, s12, $0xb8;
	[tilespmem:$0x2000] =	vst v63  }
0x3f: {  	s8 =	simm.s32 $0x780;
	s9 =	simm.s32 $0x1780  }
0x40: {  	[tilespmem:s9], [sflag:$0x1] =	stream.indirect.gather [hbm4b:s0+s12], $0x1, s8, s12, $0xb8;
	[tilespmem:$0x2000] =	vst v63  }
0x41: {  	s8 =	simm.s32 $0x800;
	s9 =	simm.s32 $0x1800  }
0x42: {  	[tilespmem:s9], [sflag:$0x1] =	stream.indirect.gather [hbm4b:s0+s12], $0x1, s8, s12, $0xb8;
	[tilespmem:$0x2000] =	vst v63  }
0x43: {  	s8 =	simm.s32 $0x880;
	s9 =	simm.s32 $0x1880  }
0x44: {  	[tilespmem:s9], [sflag:$0x1] =	stream.indirect.gather [hbm4b:s0+s12], $0x1, s8, s12, $0xb8;
	[tilespmem:$0x2000] =	vst v63  }
0x45: {  	s8 =	simm.s32 $0x900;
	s9 =	simm.s32 $0x1900  }
0x46: {  	[tilespmem:s9], [sflag:$0x1] =	stream.indirect.gather [hbm4b:s0+s12], $0x1, s8, s12, $0xb8;
	[tilespmem:$0x2000] =	vst v63  }
0x47: {  	s8 =	simm.s32 $0x980;
	s9 =	simm.s32 $0x1980  }
0x48: {  	[tilespmem:s9], [sflag:$0x1] =	stream.indirect.gather [hbm4b:s0+s12], $0x1, s8, s12, $0xb8;
	[tilespmem:$0x2000] =	vst v63  }
0x49: {  	s8 =	simm.s32 $0xA00;
	s9 =	simm.s32 $0x1A00  }
0x4a: {  	[tilespmem:s9], [sflag:$0x1] =	stream.indirect.gather [hbm4b:s0+s12], $0x1, s8, s12, $0xb8;
	[tilespmem:$0x2000] =	vst v63  }
0x4b: {  	s8 =	simm.s32 $0xA80;
	s9 =	simm.s32 $0x1A80  }
0x4c: {  	[tilespmem:s9], [sflag:$0x1] =	stream.indirect.gather [hbm4b:s0+s12], $0x1, s8, s12, $0xb8;
	[tilespmem:$0x2000] =	vst v63  }
0x4d: {  	s8 =	simm.s32 $0xB00;
	s9 =	simm.s32 $0x1B00  }
0x4e: {  	[tilespmem:s9], [sflag:$0x1] =	stream.indirect.gather [hbm4b:s0+s12], $0x1, s8, s12, $0xb8;
	[tilespmem:$0x2000] =	vst v63  }
0x4f: {  	s8 =	simm.s32 $0xB80  }
0x50: {  	[tilespmem:s10], [sflag:$0x1] =	stream.indirect.gather [hbm4b:s0+s12], $0x1, s8, s12, $0xb8;
	[tilespmem:$0x2000] =	vst v63  }
0x51: {  	_ = 	snop  }
0x52: {  	[tilespmem:s14], [sflag:$0x1] =	stream.indirect.gather [hbm4b:s0+s12], $0x1, s4, s12, $0xb8;
	[tilespmem:$0x2000] =	vst v63  }
0x53: {  	_ = 	snop  }
0x54: {  	[tilespmem:s16], [sflag:$0x1] =	stream.indirect.gather [hbm4b:s0+s12], $0x1, s15, s12, $0xb8;
	[tilespmem:$0x2000] =	vst v63  }
0x55: {  	_ = 	snop  }
0x56: {  	[tilespmem:s18], [sflag:$0x1] =	stream.indirect.gather [hbm4b:s0+s12], $0x1, s17, s12, $0xb8;
	[tilespmem:$0x2000] =	vst v63  }
0x57: {  	_ = 	snop  }
0x58: {  	[tilespmem:s20], [sflag:$0x1] =	stream.indirect.gather [hbm4b:s0+s12], $0x1, s19, s12, $0xb8;
	[tilespmem:$0x2000] =	vst v63  }
0x59: {  	_ = 	snop  }
0x5a: {  	[tilespmem:s22], [sflag:$0x1] =	stream.indirect.gather [hbm4b:s0+s12], $0x1, s21, s12, $0xb8;
	[tilespmem:$0x2000] =	vst v63  }
0x5b: {  	_ = 	snop  }
0x5c: {  	[tilespmem:s24], [sflag:$0x1] =	stream.indirect.gather [hbm4b:s0+s12], $0x1, s23, s12, $0xb8;
	[tilespmem:$0x2000] =	vst v63  }
0x5d: {  	_ = 	snop  }
0x5e: {  	[tilespmem:s26], [sflag:$0x1] =	stream.indirect.gather [hbm4b:s0+s12], $0x1, s25, s12, $0xb8;
	[tilespmem:$0x2000] =	vst v63  }
0x5f: {  	_ = 	snop  }
0x60: {  	[tilespmem:s29], [sflag:$0x1] =	stream.indirect.gather [hbm4b:s0+s12], $0x1, s28, s12, $0xb8;
	[tilespmem:$0x2000] =	vst v63  }
0x61: {  	_ =	swait.ge [sflag:s30], $0x80  }
0x62: {  	[sflag:s30] =	ssyncset.done $0x0  }
0x63: {  	[sflag:s30] =	ssyncadd.s32 $0xFFFFFF80  }
0x64: {  	_ =	swait.ge [sflag:s30], $0x80  }
0x65: {  	[sflag:s30] =	ssyncset.done $0x0  }
0x66: {  	[sflag:s30] =	ssyncadd.s32 $0xFFFFFF80  }
0x67: {  	_ =	swait.ge [sflag:s30], $0x80  }
0x68: {  	[sflag:s30] =	ssyncset.done $0x0  }
0x69: {  	[sflag:s30] =	ssyncadd.s32 $0xFFFFFF80  }
0x6a: {  	_ =	swait.ge [sflag:s30], $0x80  }
0x6b: {  	[sflag:s30] =	ssyncset.done $0x0  }
0x6c: {  	[sflag:s30] =	ssyncadd.s32 $0xFFFFFF80  }
0x6d: {  	_ =	swait.ge [sflag:s30], $0x80  }
0x6e: {  	[sflag:s30] =	ssyncset.done $0x0  }
0x6f: {  	[sflag:s30] =	ssyncadd.s32 $0xFFFFFF80  }
0x70: {  	_ =	swait.ge [sflag:s30], $0x80  }
0x71: {  	[sflag:s30] =	ssyncset.done $0x0  }
0x72: {  	[sflag:s30] =	ssyncadd.s32 $0xFFFFFF80  }
0x73: {  	_ =	swait.ge [sflag:s30], $0x80  }
0x74: {  	[sflag:s30] =	ssyncset.done $0x0  }
0x75: {  	[sflag:s30] =	ssyncadd.s32 $0xFFFFFF80  }
0x76: {  	_ =	swait.ge [sflag:s30], $0x80  }
0x77: {  	[sflag:s30] =	ssyncset.done $0x0  }
0x78: {  	[sflag:s30] =	ssyncadd.s32 $0xFFFFFF80  }
0x79: {  	_ =	swait.ge [sflag:s30], $0x80  }
0x7a: {  	[sflag:s30] =	ssyncset.done $0x0  }
0x7b: {  	[sflag:s30] =	ssyncadd.s32 $0xFFFFFF80  }
0x7c: {  	_ =	swait.ge [sflag:s30], $0x80  }
0x7d: {  	[sflag:s30] =	ssyncset.done $0x0  }
0x7e: {  	[sflag:s30] =	ssyncadd.s32 $0xFFFFFF80  }
0x7f: {  	_ =	swait.ge [sflag:s30], $0x80  }
0x80: {  	[sflag:s30] =	ssyncset.done $0x0  }
0x81: {  	[sflag:s30] =	ssyncadd.s32 $0xFFFFFF80  }
0x82: {  	_ =	swait.ge [sflag:s30], $0x80  }
0x83: {  	[sflag:s30] =	ssyncset.done $0x0  }
0x84: {  	[sflag:s30] =	ssyncadd.s32 $0xFFFFFF80  }
0x85: {  	_ =	swait.ge [sflag:s30], $0x80  }
0x86: {  	[sflag:s30] =	ssyncset.done $0x0  }
0x87: {  	[sflag:s30] =	ssyncadd.s32 $0xFFFFFF80  }
0x88: {  	_ =	swait.ge [sflag:s30], $0x80  }
0x89: {  	[sflag:s30] =	ssyncset.done $0x0  }
0x8a: {  	[sflag:s30] =	ssyncadd.s32 $0xFFFFFF80  }
0x8b: {  	_ =	swait.ge [sflag:s30], $0x80  }
0x8c: {  	[sflag:s30] =	ssyncset.done $0x0  }
0x8d: {  	[sflag:s30] =	ssyncadd.s32 $0xFFFFFF80  }
0x8e: {  	_ =	swait.ge [sflag:s30], $0x80  }
0x8f: {  	[sflag:s30] =	ssyncset.done $0x0  }
0x90: {  	[sflag:s30] =	ssyncadd.s32 $0xFFFFFF80  }
0x91: {  	_ =	swait.ge [sflag:s30], $0x80  }
0x92: {  	[sflag:s30] =	ssyncset.done $0x0  }
0x93: {  	[sflag:s30] =	ssyncadd.s32 $0xFFFFFF80  }
0x94: {  	_ =	swait.ge [sflag:s30], $0x80  }
0x95: {  	[sflag:s30] =	ssyncset.done $0x0  }
0x96: {  	[sflag:s30] =	ssyncadd.s32 $0xFFFFFF80  }
0x97: {  	_ =	swait.ge [sflag:s30], $0x80  }
0x98: {  	[sflag:s30] =	ssyncset.done $0x0  }
0x99: {  	[sflag:s30] =	ssyncadd.s32 $0xFFFFFF80  }
0x9a: {  	_ =	swait.ge [sflag:s30], $0x80  }
0x9b: {  	[sflag:s30] =	ssyncset.done $0x0  }
0x9c: {  	[sflag:s30] =	ssyncadd.s32 $0xFFFFFF80  }
0x9d: {  	_ =	swait.ge [sflag:s30], $0x80  }
0x9e: {  	[sflag:s30] =	ssyncset.done $0x0  }
0x9f: {  	[sflag:s30] =	ssyncadd.s32 $0xFFFFFF80  }
0xa0: {  	_ =	swait.ge [sflag:s30], $0x80  }
0xa1: {  	[sflag:s30] =	ssyncset.done $0x0  }
0xa2: {  	[sflag:s30] =	ssyncadd.s32 $0xFFFFFF80  }
0xa3: {  	_ =	swait.ge [sflag:s30], $0x80  }
0xa4: {  	[sflag:s30] =	ssyncset.done $0x0  }
0xa5: {  	[sflag:s30] =	ssyncadd.s32 $0xFFFFFF80  }
0xa6: {  	_ =	swait.ge [sflag:s30], $0x80  }
0xa7: {  	[sflag:s30] =	ssyncset.done $0x0  }
0xa8: {  	[sflag:s30] =	ssyncadd.s32 $0xFFFFFF80  }
0xa9: {  	_ =	swait.ge [sflag:s30], $0x80  }
0xaa: {  	[sflag:s30] =	ssyncset.done $0x0  }
0xab: {  	[sflag:s30] =	ssyncadd.s32 $0xFFFFFF80  }
0xac: {  	_ =	swait.ge [sflag:s30], $0x80  }
0xad: {  	[sflag:s30] =	ssyncset.done $0x0  }
0xae: {  	[sflag:s30] =	ssyncadd.s32 $0xFFFFFF80  }
0xaf: {  	_ =	swait.ge [sflag:s30], $0x80  }
0xb0: {  	[sflag:s30] =	ssyncset.done $0x0  }
0xb1: {  	[sflag:s30] =	ssyncadd.s32 $0xFFFFFF80  }
0xb2: {  	_ =	swait.ge [sflag:s30], $0x80  }
0xb3: {  	[sflag:s30] =	ssyncset.done $0x0  }
0xb4: {  	[sflag:s30] =	ssyncadd.s32 $0xFFFFFF80  }
0xb5: {  	_ =	swait.ge [sflag:s30], $0x80  }
0xb6: {  	[sflag:s30] =	ssyncset.done $0x0  }
0xb7: {  	[sflag:s30] =	ssyncadd.s32 $0xFFFFFF80  }
0xb8: {  	_ =	swait.ge [sflag:s30], $0x80  }
0xb9: {  	[sflag:s30] =	ssyncset.done $0x0  }
0xba: {  	[sflag:s30] =	ssyncadd.s32 $0xFFFFFF80  }
0xbb: {  	_ =	swait.ge [sflag:s30], $0x80  }
0xbc: {  	[sflag:s30] =	ssyncset.done $0x0  }
0xbd: {  	[sflag:s30] =	ssyncadd.s32 $0xFFFFFF80  }
0xbe: {  	_ =	swait.ge [sflag:s30], $0x80  }
0xbf: {  	[sflag:s30] =	ssyncset.done $0x0  }
0xc0: {  	s9 =	rddreg [dreg:$0x4];
	[sflag:s30] =	ssyncadd.s32 $0xFFFFFF80  }
0xc1: {  	[hbm4b:s9+s2] =	stream.linear.scatter [tilespmem:s13], [sflag:$0x2], $0x1000, $0x38;
	[tilespmem:$0x2000] =	vst v63  }
0xc2: {  	_ =	swait.ge [sflag:s11], $0x1000  }
0xc3: {  	[sflag:s11] =	ssyncset.done $0x0  }
0xc4: {  	[sflag:s11] =	ssyncadd.s32 $0xFFFFF000  }
.LBB2_5:
0xc5: {  	s0 =	simm.s32 $0x0  }
.LBB2_6:
0xc6: {  	s1 =	sshll.u32 s0, $0x5;
	s8 =	sshll.u32 s0, $0x9  }
0xc7: {  	s1 =	sor.u32 s5, s1;
	s8 =	sadd.s32 s6, s8  }
0xc8: {  	[tilespmem:s31], [sflag:$0x2] =	stream.linear.gather [hbm4b:s8+s31], $0x1000, $0x38;
	[tilespmem:$0x2000] =	vst v63  }
0xc9: {  	s9 =	smul.u32 $0x186A0, s1;
	_ =	swait.ge [sflag:s11], $0x1000  }
0xca: {  	[sflag:s11] =	ssyncset.done $0x0  }
0xcb: {  	s8 =	simm.s32 $0x0;
	v1 =	vmov s9;
	s9 =	simm.s32 $0x40;
	[sflag:s11] =	ssyncadd.s32 $0xFFFFF000  }
.LBB2_7:
0xcc: {  	p1 =	sne.s32 s9, $0x3FC0;
	v2 =	vld [tilespmem:s8+$0x0];
	_ =	sdelay $0x1  }
.Ltmp2:
0xcd: {  	(pc) =	sbr.rel @p1 .LBB2_7-.Ltmp2, $3  }
0xce: {  	_ =	sdelay $0x1  }
0xcf: {  	v2 =	vadd.s32 v1, v2  }
0xd0: {  	[tilespmem:s8+$0x0] =	vst v2;
	s8 =	sshra.s32 s9, $0x2;
	s9 =	sadd.s32 $0x40, s9  }
0xd1: {  	v2 =	vld [tilespmem:s8+$0x0];
	_ =	sdelay $0x4  }
0xd2: {  	v1 =	vadd.s32 v1, v2  }
0xd3: {  	[tilespmem:s8+$0x0] =	vst v1  }
0xd4: {  	[tilespmem:s13], [sflag:$0x1] =	stream.indirect.gather [hbm4b:s3+s12], $0x1, s2, s12, $0xb8;
	[tilespmem:$0x2000] =	vst v63  }
0xd5: {  	s9 =	simm.s32 $0x1080  }
0xd6: {  	[tilespmem:s9], [sflag:$0x1] =	stream.indirect.gather [hbm4b:s3+s12], $0x1, s12, s12, $0xb8;
	[tilespmem:$0x2000] =	vst v63  }
0xd7: {  	s8 =	simm.s32 $0x100;
	s9 =	simm.s32 $0x1100  }
0xd8: {  	[tilespmem:s9], [sflag:$0x1] =	stream.indirect.gather [hbm4b:s3+s12], $0x1, s8, s12, $0xb8;
	[tilespmem:$0x2000] =	vst v63  }
0xd9: {  	s8 =	simm.s32 $0x180;
	s9 =	simm.s32 $0x1180  }
0xda: {  	[tilespmem:s9], [sflag:$0x1] =	stream.indirect.gather [hbm4b:s3+s12], $0x1, s8, s12, $0xb8;
	[tilespmem:$0x2000] =	vst v63  }
0xdb: {  	s8 =	simm.s32 $0x200;
	s9 =	simm.s32 $0x1200  }
0xdc: {  	[tilespmem:s9], [sflag:$0x1] =	stream.indirect.gather [hbm4b:s3+s12], $0x1, s8, s12, $0xb8;
	[tilespmem:$0x2000] =	vst v63  }
0xdd: {  	s8 =	simm.s32 $0x280;
	s9 =	simm.s32 $0x1280  }
0xde: {  	[tilespmem:s9], [sflag:$0x1] =	stream.indirect.gather [hbm4b:s3+s12], $0x1, s8, s12, $0xb8;
	[tilespmem:$0x2000] =	vst v63  }
0xdf: {  	s8 =	simm.s32 $0x300;
	s9 =	simm.s32 $0x1300  }
0xe0: {  	[tilespmem:s9], [sflag:$0x1] =	stream.indirect.gather [hbm4b:s3+s12], $0x1, s8, s12, $0xb8;
	[tilespmem:$0x2000] =	vst v63  }
0xe1: {  	s8 =	simm.s32 $0x380;
	s9 =	simm.s32 $0x1380  }
0xe2: {  	[tilespmem:s9], [sflag:$0x1] =	stream.indirect.gather [hbm4b:s3+s12], $0x1, s8, s12, $0xb8;
	[tilespmem:$0x2000] =	vst v63  }
0xe3: {  	s8 =	simm.s32 $0x400;
	s9 =	simm.s32 $0x1400  }
0xe4: {  	[tilespmem:s9], [sflag:$0x1] =	stream.indirect.gather [hbm4b:s3+s12], $0x1, s8, s12, $0xb8;
	[tilespmem:$0x2000] =	vst v63  }
0xe5: {  	s8 =	simm.s32 $0x480;
	s9 =	simm.s32 $0x1480  }
0xe6: {  	[tilespmem:s9], [sflag:$0x1] =	stream.indirect.gather [hbm4b:s3+s12], $0x1, s8, s12, $0xb8;
	[tilespmem:$0x2000] =	vst v63  }
0xe7: {  	s8 =	simm.s32 $0x500;
	s9 =	simm.s32 $0x1500  }
0xe8: {  	[tilespmem:s9], [sflag:$0x1] =	stream.indirect.gather [hbm4b:s3+s12], $0x1, s8, s12, $0xb8;
	[tilespmem:$0x2000] =	vst v63  }
0xe9: {  	s8 =	simm.s32 $0x580;
	s9 =	simm.s32 $0x1580  }
0xea: {  	[tilespmem:s9], [sflag:$0x1] =	stream.indirect.gather [hbm4b:s3+s12], $0x1, s8, s12, $0xb8;
	[tilespmem:$0x2000] =	vst v63  }
0xeb: {  	s8 =	simm.s32 $0x600;
	s9 =	simm.s32 $0x1600  }
0xec: {  	[tilespmem:s9], [sflag:$0x1] =	stream.indirect.gather [hbm4b:s3+s12], $0x1, s8, s12, $0xb8;
	[tilespmem:$0x2000] =	vst v63  }
0xed: {  	s8 =	simm.s32 $0x680;
	s9 =	simm.s32 $0x1680  }
0xee: {  	[tilespmem:s9], [sflag:$0x1] =	stream.indirect.gather [hbm4b:s3+s12], $0x1, s8, s12, $0xb8;
	[tilespmem:$0x2000] =	vst v63  }
0xef: {  	s8 =	simm.s32 $0x700;
	s9 =	simm.s32 $0x1700  }
0xf0: {  	[tilespmem:s9], [sflag:$0x1] =	stream.indirect.gather [hbm4b:s3+s12], $0x1, s8, s12, $0xb8;
	[tilespmem:$0x2000] =	vst v63  }
0xf1: {  	s8 =	simm.s32 $0x780;
	s9 =	simm.s32 $0x1780  }
0xf2: {  	[tilespmem:s9], [sflag:$0x1] =	stream.indirect.gather [hbm4b:s3+s12], $0x1, s8, s12, $0xb8;
	[tilespmem:$0x2000] =	vst v63  }
0xf3: {  	s8 =	simm.s32 $0x800;
	s9 =	simm.s32 $0x1800  }
0xf4: {  	[tilespmem:s9], [sflag:$0x1] =	stream.indirect.gather [hbm4b:s3+s12], $0x1, s8, s12, $0xb8;
	[tilespmem:$0x2000] =	vst v63  }
0xf5: {  	s8 =	simm.s32 $0x880;
	s9 =	simm.s32 $0x1880  }
0xf6: {  	[tilespmem:s9], [sflag:$0x1] =	stream.indirect.gather [hbm4b:s3+s12], $0x1, s8, s12, $0xb8;
	[tilespmem:$0x2000] =	vst v63  }
0xf7: {  	s8 =	simm.s32 $0x900;
	s9 =	simm.s32 $0x1900  }
0xf8: {  	[tilespmem:s9], [sflag:$0x1] =	stream.indirect.gather [hbm4b:s3+s12], $0x1, s8, s12, $0xb8;
	[tilespmem:$0x2000] =	vst v63  }
0xf9: {  	s8 =	simm.s32 $0x980;
	s9 =	simm.s32 $0x1980  }
0xfa: {  	[tilespmem:s9], [sflag:$0x1] =	stream.indirect.gather [hbm4b:s3+s12], $0x1, s8, s12, $0xb8;
	[tilespmem:$0x2000] =	vst v63  }
0xfb: {  	s8 =	simm.s32 $0xA00;
	s9 =	simm.s32 $0x1A00  }
0xfc: {  	[tilespmem:s9], [sflag:$0x1] =	stream.indirect.gather [hbm4b:s3+s12], $0x1, s8, s12, $0xb8;
	[tilespmem:$0x2000] =	vst v63  }
0xfd: {  	s8 =	simm.s32 $0xA80;
	s9 =	simm.s32 $0x1A80  }
0xfe: {  	[tilespmem:s9], [sflag:$0x1] =	stream.indirect.gather [hbm4b:s3+s12], $0x1, s8, s12, $0xb8;
	[tilespmem:$0x2000] =	vst v63  }
0xff: {  	s8 =	simm.s32 $0xB00;
	s9 =	simm.s32 $0x1B00  }
0x100: {  	[tilespmem:s9], [sflag:$0x1] =	stream.indirect.gather [hbm4b:s3+s12], $0x1, s8, s12, $0xb8;
	[tilespmem:$0x2000] =	vst v63  }
0x101: {  	s9 =	simm.s32 $0xB80  }
0x102: {  	[tilespmem:s10], [sflag:$0x1] =	stream.indirect.gather [hbm4b:s3+s12], $0x1, s9, s12, $0xb8;
	[tilespmem:$0x2000] =	vst v63  }
0x103: {  	_ = 	snop  }
0x104: {  	[tilespmem:s14], [sflag:$0x1] =	stream.indirect.gather [hbm4b:s3+s12], $0x1, s4, s12, $0xb8;
	[tilespmem:$0x2000] =	vst v63  }
0x105: {  	_ = 	snop  }
0x106: {  	[tilespmem:s16], [sflag:$0x1] =	stream.indirect.gather [hbm4b:s3+s12], $0x1, s15, s12, $0xb8;
	[tilespmem:$0x2000] =	vst v63  }
0x107: {  	_ = 	snop  }
0x108: {  	[tilespmem:s18], [sflag:$0x1] =	stream.indirect.gather [hbm4b:s3+s12], $0x1, s17, s12, $0xb8;
	[tilespmem:$0x2000] =	vst v63  }
0x109: {  	_ = 	snop  }
0x10a: {  	[tilespmem:s20], [sflag:$0x1] =	stream.indirect.gather [hbm4b:s3+s12], $0x1, s19, s12, $0xb8;
	[tilespmem:$0x2000] =	vst v63  }
0x10b: {  	_ = 	snop  }
0x10c: {  	[tilespmem:s22], [sflag:$0x1] =	stream.indirect.gather [hbm4b:s3+s12], $0x1, s21, s12, $0xb8;
	[tilespmem:$0x2000] =	vst v63  }
0x10d: {  	_ = 	snop  }
0x10e: {  	[tilespmem:s24], [sflag:$0x1] =	stream.indirect.gather [hbm4b:s3+s12], $0x1, s23, s12, $0xb8;
	[tilespmem:$0x2000] =	vst v63  }
0x10f: {  	_ = 	snop  }
0x110: {  	[tilespmem:s26], [sflag:$0x1] =	stream.indirect.gather [hbm4b:s3+s12], $0x1, s25, s12, $0xb8;
	[tilespmem:$0x2000] =	vst v63  }
0x111: {  	_ = 	snop  }
0x112: {  	[tilespmem:s29], [sflag:$0x1] =	stream.indirect.gather [hbm4b:s3+s12], $0x1, s28, s12, $0xb8;
	[tilespmem:$0x2000] =	vst v63  }
0x113: {  	_ =	swait.ge [sflag:s30], $0x80  }
0x114: {  	[sflag:s30] =	ssyncset.done $0x0  }
0x115: {  	[sflag:s30] =	ssyncadd.s32 $0xFFFFFF80  }
0x116: {  	_ =	swait.ge [sflag:s30], $0x80  }
0x117: {  	[sflag:s30] =	ssyncset.done $0x0  }
0x118: {  	[sflag:s30] =	ssyncadd.s32 $0xFFFFFF80  }
0x119: {  	_ =	swait.ge [sflag:s30], $0x80  }
0x11a: {  	[sflag:s30] =	ssyncset.done $0x0  }
0x11b: {  	[sflag:s30] =	ssyncadd.s32 $0xFFFFFF80  }
0x11c: {  	_ =	swait.ge [sflag:s30], $0x80  }
0x11d: {  	[sflag:s30] =	ssyncset.done $0x0  }
0x11e: {  	[sflag:s30] =	ssyncadd.s32 $0xFFFFFF80  }
0x11f: {  	_ =	swait.ge [sflag:s30], $0x80  }
0x120: {  	[sflag:s30] =	ssyncset.done $0x0  }
0x121: {  	[sflag:s30] =	ssyncadd.s32 $0xFFFFFF80  }
0x122: {  	_ =	swait.ge [sflag:s30], $0x80  }
0x123: {  	[sflag:s30] =	ssyncset.done $0x0  }
0x124: {  	[sflag:s30] =	ssyncadd.s32 $0xFFFFFF80  }
0x125: {  	_ =	swait.ge [sflag:s30], $0x80  }
0x126: {  	[sflag:s30] =	ssyncset.done $0x0  }
0x127: {  	[sflag:s30] =	ssyncadd.s32 $0xFFFFFF80  }
0x128: {  	_ =	swait.ge [sflag:s30], $0x80  }
0x129: {  	[sflag:s30] =	ssyncset.done $0x0  }
0x12a: {  	[sflag:s30] =	ssyncadd.s32 $0xFFFFFF80  }
0x12b: {  	_ =	swait.ge [sflag:s30], $0x80  }
0x12c: {  	[sflag:s30] =	ssyncset.done $0x0  }
0x12d: {  	[sflag:s30] =	ssyncadd.s32 $0xFFFFFF80  }
0x12e: {  	_ =	swait.ge [sflag:s30], $0x80  }
0x12f: {  	[sflag:s30] =	ssyncset.done $0x0  }
0x130: {  	[sflag:s30] =	ssyncadd.s32 $0xFFFFFF80  }
0x131: {  	_ =	swait.ge [sflag:s30], $0x80  }
0x132: {  	[sflag:s30] =	ssyncset.done $0x0  }
0x133: {  	[sflag:s30] =	ssyncadd.s32 $0xFFFFFF80  }
0x134: {  	_ =	swait.ge [sflag:s30], $0x80  }
0x135: {  	[sflag:s30] =	ssyncset.done $0x0  }
0x136: {  	[sflag:s30] =	ssyncadd.s32 $0xFFFFFF80  }
0x137: {  	_ =	swait.ge [sflag:s30], $0x80  }
0x138: {  	[sflag:s30] =	ssyncset.done $0x0  }
0x139: {  	[sflag:s30] =	ssyncadd.s32 $0xFFFFFF80  }
0x13a: {  	_ =	swait.ge [sflag:s30], $0x80  }
0x13b: {  	[sflag:s30] =	ssyncset.done $0x0  }
0x13c: {  	[sflag:s30] =	ssyncadd.s32 $0xFFFFFF80  }
0x13d: {  	_ =	swait.ge [sflag:s30], $0x80  }
0x13e: {  	[sflag:s30] =	ssyncset.done $0x0  }
0x13f: {  	[sflag:s30] =	ssyncadd.s32 $0xFFFFFF80  }
0x140: {  	_ =	swait.ge [sflag:s30], $0x80  }
0x141: {  	[sflag:s30] =	ssyncset.done $0x0  }
0x142: {  	[sflag:s30] =	ssyncadd.s32 $0xFFFFFF80  }
0x143: {  	_ =	swait.ge [sflag:s30], $0x80  }
0x144: {  	[sflag:s30] =	ssyncset.done $0x0  }
0x145: {  	[sflag:s30] =	ssyncadd.s32 $0xFFFFFF80  }
0x146: {  	_ =	swait.ge [sflag:s30], $0x80  }
0x147: {  	[sflag:s30] =	ssyncset.done $0x0  }
0x148: {  	[sflag:s30] =	ssyncadd.s32 $0xFFFFFF80  }
0x149: {  	_ =	swait.ge [sflag:s30], $0x80  }
0x14a: {  	[sflag:s30] =	ssyncset.done $0x0  }
0x14b: {  	[sflag:s30] =	ssyncadd.s32 $0xFFFFFF80  }
0x14c: {  	_ =	swait.ge [sflag:s30], $0x80  }
0x14d: {  	[sflag:s30] =	ssyncset.done $0x0  }
0x14e: {  	[sflag:s30] =	ssyncadd.s32 $0xFFFFFF80  }
0x14f: {  	_ =	swait.ge [sflag:s30], $0x80  }
0x150: {  	[sflag:s30] =	ssyncset.done $0x0  }
0x151: {  	[sflag:s30] =	ssyncadd.s32 $0xFFFFFF80  }
0x152: {  	_ =	swait.ge [sflag:s30], $0x80  }
0x153: {  	[sflag:s30] =	ssyncset.done $0x0  }
0x154: {  	[sflag:s30] =	ssyncadd.s32 $0xFFFFFF80  }
0x155: {  	_ =	swait.ge [sflag:s30], $0x80  }
0x156: {  	[sflag:s30] =	ssyncset.done $0x0  }
0x157: {  	[sflag:s30] =	ssyncadd.s32 $0xFFFFFF80  }
0x158: {  	_ =	swait.ge [sflag:s30], $0x80  }
0x159: {  	[sflag:s30] =	ssyncset.done $0x0  }
0x15a: {  	[sflag:s30] =	ssyncadd.s32 $0xFFFFFF80  }
0x15b: {  	_ =	swait.ge [sflag:s30], $0x80  }
0x15c: {  	[sflag:s30] =	ssyncset.done $0x0  }
0x15d: {  	[sflag:s30] =	ssyncadd.s32 $0xFFFFFF80  }
0x15e: {  	_ =	swait.ge [sflag:s30], $0x80  }
0x15f: {  	[sflag:s30] =	ssyncset.done $0x0  }
0x160: {  	[sflag:s30] =	ssyncadd.s32 $0xFFFFFF80  }
0x161: {  	_ =	swait.ge [sflag:s30], $0x80  }
0x162: {  	[sflag:s30] =	ssyncset.done $0x0  }
0x163: {  	[sflag:s30] =	ssyncadd.s32 $0xFFFFFF80  }
0x164: {  	_ =	swait.ge [sflag:s30], $0x80  }
0x165: {  	[sflag:s30] =	ssyncset.done $0x0  }
0x166: {  	[sflag:s30] =	ssyncadd.s32 $0xFFFFFF80  }
0x167: {  	_ =	swait.ge [sflag:s30], $0x80  }
0x168: {  	[sflag:s30] =	ssyncset.done $0x0  }
0x169: {  	[sflag:s30] =	ssyncadd.s32 $0xFFFFFF80  }
0x16a: {  	_ =	swait.ge [sflag:s30], $0x80  }
0x16b: {  	[sflag:s30] =	ssyncset.done $0x0  }
0x16c: {  	[sflag:s30] =	ssyncadd.s32 $0xFFFFFF80  }
0x16d: {  	_ =	swait.ge [sflag:s30], $0x80  }
0x16e: {  	[sflag:s30] =	ssyncset.done $0x0  }
0x16f: {  	[sflag:s30] =	ssyncadd.s32 $0xFFFFFF80  }
0x170: {  	s0 =	sadd.s32 $0x1, s0;
	_ =	swait.ge [sflag:s30], $0x80  }
0x171: {  	s1 =	sshll.u32 s1, $0x9;
	p1 =	sne.s32 s0, $0x1A;
	[sflag:s30] =	ssyncset.done $0x0  }
.Ltmp3:
0x172: {  	s1 =	sadd.s32 s7, s1;
	[sflag:s30] =	ssyncadd.s32 $0xFFFFFF80;
	(pc) =	sbr.rel @p1 .LBB2_6-.Ltmp3, $4  }
0x173: {  	[hbm4b:s1+s2] =	stream.linear.scatter [tilespmem:s13], [sflag:$0x2], $0x1000, $0x38;
	[tilespmem:$0x2000] =	vst v63  }
0x174: {  	_ =	swait.ge [sflag:s11], $0x1000  }
0x175: {  	[sflag:s11] =	ssyncset.done $0x0  }
0x176: {  	[sflag:s11] =	ssyncadd.s32 $0xFFFFF000  }
0x177: {  	s1 =	rddreg [dreg:$0x6]  }
0x178: {  	s0 =	rddreg [dreg:$0x5];
	s1 =	sadd.s32 $0x1, s1  }
0x179: {  	p1 =	sne.s32 s1, s0  }
.Ltmp4:
0x17a: {  	_ = 	snop;
	(pc) =	sbr.rel @p1 .LBB2_1-.Ltmp4, $1  }
0x17b: {  	_ =	sdelay $0x3  }
0x17c: {  	_ =	sfence.sel $0x180000  }
0x17d: {  	[bflag:$0x0] =	sbarrier.arrive $0xFFFF  }
0x17e: {  	_ =	strace $0x90000047  }
0x17f: {  	s0 =	stileid.u32;
	[bflag:$0x2] =	sbarrier.arrive $0xFFFF  }
0x180: {  	p0 =	sne.s32 s0, $0x0;
	s0 =	rddreg [dreg:$0x1]  }
0x181: {  	s0 =	sadd.s32 @!p0 $0x100000, s0  }
0x182: {  	[sflag:s0] =	ssyncadd.tile.s32 @!p0 $0x1;
	_ =	shalt  }
.Lfunc_end2:
_tile_overlayer_lowered:
.L_overlay_start_2:
0x183: {  	(tag) =	ssettag $0x2  }
0x184: {  	s0 =	rddreg [dreg:$0x0];
	s2 =	stileid.u32  }
0x185: {  	s1 =	rddreg [dreg:$0x1];
	p0 =	sne.s32 s2, $0x0  }
0x186: {  	s3 =	rddreg [dreg:$0x2];
	[bflag:$0x3] =	sbarrier.arrive $0xFFFF;
	s2 =	simm.s32 @!p0 $0x1C02  }
0x187: {  	[timem:s3], [sflag:s2] =	dma.local @!p0 [hbm:s0], s1  }
0x188: {  	s0 =	simm.s32 @!p0 $0x2  }
0x189: {  	_ =	swait.ge @!p0 [sflag:s0], s1  }
0x18a: {  	s1 =	ssub.s32 @!p0 $0x0, s1;
	[sflag:s0] =	ssyncset.done @!p0 $0x0  }
0x18b: {  	[sflag:s0] =	ssyncadd.s32 @!p0 s1  }
0x18c: {  	[bflag:$0x3] =	sbarrier.arrive $0xFFFF  }
0x18d: {  	_ =	shalt  }

</sc_bundles>
